<compile_context>
chip_gen: v7x
topology: tpu7x:2x2x1
jax: 0.10.2.dev20260603
libtpu: 0.0.44.dev20260713+nightly
codegen_flags: <defaults>
</compile_context>

<pallas_src>
import functools

import jax
import jax.numpy as jnp
import numpy as np
from jax import lax
from jax.experimental import pallas as pl
from jax.experimental.pallas import tpu as pltpu
from jax.experimental.pallas import tpu_sc as plsc

EMBED_DIM = 256
IMG_EMB_SIZE = 32



def _dense_body(x_ref, w1_ref, b1_ref, w2_ref, b2_ref,
                w3_ref, b3_ref, out_ref):
    for b in range(x_ref.shape[0]):
        xf = x_ref[b]
        p2k = jnp.maximum(
            jnp.dot(w1_ref[...], xf, preferred_element_type=jnp.float32)
            + b1_ref[...], 0.0)
        h2 = jnp.maximum(
            jnp.dot(w2_ref[...], p2k, preferred_element_type=jnp.float32)
            + b2_ref[...], 0.0)
        h3 = (jnp.dot(w3_ref[...], h2, preferred_element_type=jnp.float32)
              + b3_ref[...])
        out_ref[b] = h3.astype(jnp.bfloat16)


def _dense_call(masks, conv1_w, conv1_b, conv2_w, conv2_b, conv3_w, conv3_b,
                interpret=False):
    B = masks.shape[0]
    xf = masks.reshape(B, 32, 4, 32, 4).transpose(0, 2, 4, 1, 3)
    xf = xf.reshape(B, 16, 1024)

    w1c = conv1_w[:, 0]
    w1big = jnp.stack([
        jnp.pad(w1c, ((0, 0), (2 * di, 2 - 2 * di), (2 * dj, 2 - 2 * dj)))
        for di in range(2) for dj in range(2)
    ], axis=0).reshape(256, 16)
    b1col = jnp.tile(conv1_b, (4,)).reshape(256, 1)
    w2m = conv2_w.transpose(0, 2, 3, 1).reshape(256, 256)
    b2col = conv2_b.reshape(256, 1)
    w3m = conv3_w[:, :, 0, 0]
    b3col = conv3_b.reshape(256, 1)

    const = lambda *_: (0, 0)
    bpb = 8
    out = pl.pallas_call(
        _dense_body,
        grid=(B // bpb,),
        in_specs=[
            pl.BlockSpec((bpb, 16, 1024), lambda i: (i, 0, 0)),
            pl.BlockSpec((256, 16), const),
            pl.BlockSpec((256, 1), const),
            pl.BlockSpec((256, 256), const),
            pl.BlockSpec((256, 1), const),
            pl.BlockSpec((256, 256), const),
            pl.BlockSpec((256, 1), const),
        ],
        out_specs=pl.BlockSpec((bpb, 256, 1024), lambda i: (i, 0, 0)),
        out_shape=jax.ShapeDtypeStruct((B, 256, 1024), jnp.bfloat16),
        interpret=interpret,
    )(xf, w1big, b1col, w2m, b2col, w3m, b3col)
    return out.reshape(B, 256, 32, 32).astype(jnp.float32)



_NPOINT = 32
_NBOX = 8
_NSLOT = _NPOINT + _NBOX


def _fuse_body(pe_ref, rows_ref, out_ref):
    mul = jnp.where(pl.program_id(0) == 2, 0.0, 1.0)
    out_ref[0] = pe_ref[...] * mul + rows_ref[0]


def _fuse_table(pe_flat, point_emb_w, box_emb_w, interpret=False):
    rows = jnp.concatenate([point_emb_w, box_emb_w], axis=0)
    rows = rows.reshape(3, 1, EMBED_DIM)
    fused = pl.pallas_call(
        _fuse_body,
        grid=(3,),
        in_specs=[
            pl.BlockSpec((1024, EMBED_DIM), lambda r: (0, 0)),
            pl.BlockSpec((1, 1, EMBED_DIM), lambda r: (r, 0, 0)),
        ],
        out_specs=pl.BlockSpec((1, 1024, EMBED_DIM), lambda r: (r, 0, 0)),
        out_shape=jax.ShapeDtypeStruct((3, 1024, EMBED_DIM), jnp.float32),
        interpret=interpret,
    )(pe_flat, rows)
    return fused.reshape(3 * 1024, EMBED_DIM)


def _sparse_body(pk_hbm, table_hbm, out_hbm, pk_v, idx_v, buf_v, sem):
    nc = 2
    wid = lax.axis_index("s") * nc + lax.axis_index("c")
    pltpu.sync_copy(pk_hbm.at[pl.ds(wid * 192, 192)], pk_v)
    scale = jnp.float32(IMG_EMB_SIZE / 512.0)
    smax = IMG_EMB_SIZE - 1
    box_idx = jnp.full((16,), 2048, jnp.int32)

    def point_chunk(k):
        sl = pl.ds(k * 16, 16)
        xv = pk_v[sl]
        yv = pk_v[pl.ds(64 + k * 16, 16)]
        lv = pk_v[pl.ds(128 + k * 16, 16)].astype(jnp.int32)
        xi = jnp.clip((xv * scale).astype(jnp.int32), 0, smax)
        yi = jnp.clip((yv * scale).astype(jnp.int32), 0, smax)
        return lv * 1024 + yi * IMG_EMB_SIZE + xi

    idx_v[pl.ds(0, 16)] = point_chunk(0)
    idx_v[pl.ds(16, 16)] = point_chunk(1)
    idx_v[pl.ds(32, 16)] = box_idx
    idx_v[pl.ds(40, 16)] = point_chunk(2)
    idx_v[pl.ds(64, 16)] = box_idx
    idx_v[pl.ds(56, 16)] = point_chunk(3)
    copies = [
        pltpu.async_copy(table_hbm.at[idx_v.at[pl.ds(k * 16, 16)]],
                         buf_v.at[pl.ds(k * 16, 16)], sem)
        for k in range(5)
    ]
    for c in copies:
        c.wait()
    pltpu.sync_copy(buf_v, out_hbm.at[pl.ds(wid * 80, 80)])


def _sparse_call(point_coords, point_labels, point_emb_w, box_emb_w, pe_layer):
    B, Np = point_labels.shape
    nw = 32
    rows_per_w = B * _NSLOT // nw
    npt = B * Np // nw
    xs = point_coords[..., 0].reshape(nw, 1, npt)
    ys = point_coords[..., 1].reshape(nw, 1, npt)
    lab = point_labels.astype(jnp.float32).reshape(nw, 1, npt)
    packed = jnp.concatenate([xs, ys, lab], axis=1).reshape(nw * 3 * npt)
    table = _fuse_table(pe_layer.reshape(1024, EMBED_DIM), point_emb_w,
                        box_emb_w)

    mesh = plsc.VectorSubcoreMesh(core_axis_name="c", subcore_axis_name="s")
    out = pl.kernel(
        _sparse_body,
        out_type=jax.ShapeDtypeStruct((B * _NSLOT, EMBED_DIM), jnp.float32),
        mesh=mesh,
        scratch_types=[
            pltpu.VMEM((3 * npt,), jnp.float32),
            pltpu.VMEM((rows_per_w,), jnp.int32),
            pltpu.VMEM((rows_per_w, EMBED_DIM), jnp.float32),
            pltpu.SemaphoreType.DMA,
        ],
    )(packed, table)
    return out.reshape(B, _NSLOT, EMBED_DIM)


def kernel(point_coords, point_labels, boxes, masks, point_emb_w, box_emb_w,
           conv1_w, conv1_b, conv2_w, conv2_b, conv3_w, conv3_b, pe_layer):
    sparse_embed = _sparse_call(point_coords, point_labels, point_emb_w,
                                box_emb_w, pe_layer)
    dense_embed = _dense_call(masks, conv1_w, conv1_b, conv2_w, conv2_b,
                              conv3_w, conv3_b)
    return (sparse_embed, dense_embed)

# --- scband reference (transcript-rebuilt; emitter-appended) ---
"""Pipeline reference for scband-efficient-prompt-encoder-29180007809355 (READ-ONLY COPY).

The authoritative reference and input builder live on the scoring server;
editing this copy changes nothing except your own understanding.
"""

import jax, jax.numpy as jnp
import numpy as np

EMBED_DIM = 256
IMG_EMB_SIZE = 32


def _make_pe(embed_dim, size):
    half_dim = embed_dim // 2
    div_term = np.exp(np.arange(0, half_dim).astype(np.float32) * -(np.log(10000.0) / half_dim))
    pos = np.arange(size).astype(np.float32)
    sin_h = np.sin(pos[:, None] * div_term[None, :])[:, : embed_dim // 2]  # [S, half]
    cos_w = np.cos(pos[:, None] * div_term[None, :])[:, : embed_dim // 2]  # [S, half]
    pe = np.zeros((size, size, embed_dim), dtype=np.float32)
    pe[:, :, 0::2] = np.broadcast_to(sin_h[:, None, :], (size, size, embed_dim // 2))
    pe[:, :, 1::2] = np.broadcast_to(cos_w[None, :, :], (size, size, embed_dim // 2))
    return jnp.asarray(pe)


def _conv2d(x, w, b, stride):
    y = jax.lax.conv_general_dilated(
        x, w, window_strides=(stride, stride), padding='VALID',
        dimension_numbers=('NCHW', 'OIHW', 'NCHW'))
    return y + b[None, :, None, None]


def setup_inputs(seed: int = 0) -> dict:
    key = jax.random.key(seed)
    ks = jax.random.split(key, 12)
    B, Np, Nb = 64, 32, 8
    point_coords = jax.random.uniform(ks[0], (B, Np, 2), dtype=jnp.float32)
    point_labels = jax.random.randint(ks[1], (B, Np), 0, 2, dtype=jnp.int32)
    boxes = jax.random.normal(ks[2], (B, Nb, 4), dtype=jnp.float32)
    masks = jax.random.normal(ks[3], (B, 1, 128, 128), dtype=jnp.float32)
    point_emb_w = jax.random.normal(ks[4], (2, EMBED_DIM), dtype=jnp.float32) * 0.02
    box_emb_w = jax.random.normal(ks[5], (1, EMBED_DIM), dtype=jnp.float32) * 0.02
    conv1_w = jax.random.normal(ks[6], (EMBED_DIM // 4, 1, 2, 2), dtype=jnp.float32) * 0.1
    conv1_b = jnp.zeros((EMBED_DIM // 4,), dtype=jnp.float32)
    conv2_w = jax.random.normal(ks[7], (EMBED_DIM, EMBED_DIM // 4, 2, 2), dtype=jnp.float32) * 0.05
    conv2_b = jnp.zeros((EMBED_DIM,), dtype=jnp.float32)
    conv3_w = jax.random.normal(ks[8], (EMBED_DIM, EMBED_DIM, 1, 1), dtype=jnp.float32) * 0.05
    conv3_b = jnp.zeros((EMBED_DIM,), dtype=jnp.float32)
    pe_layer = _make_pe(EMBED_DIM, IMG_EMB_SIZE)
    return {
        'point_coords': point_coords, 'point_labels': point_labels,
        'boxes': boxes, 'masks': masks,
        'point_emb_w': point_emb_w, 'box_emb_w': box_emb_w,
        'conv1_w': conv1_w, 'conv1_b': conv1_b,
        'conv2_w': conv2_w, 'conv2_b': conv2_b,
        'conv3_w': conv3_w, 'conv3_b': conv3_b,
        'pe_layer': pe_layer,
    }


def reference(point_coords, point_labels, boxes, masks,
              point_emb_w, box_emb_w,
              conv1_w, conv1_b, conv2_w, conv2_b, conv3_w, conv3_b,
              pe_layer):
    S = pe_layer.shape[0]
    B = point_coords.shape[0]
    # sparse: point embeddings (embedding lookup) + positional encoding gather
    point_embeddings = jnp.take(point_emb_w, point_labels, axis=0)  # [B, Np, D]
    x_idx = jnp.clip((point_coords[..., 0] * S / 512.0).astype(jnp.int32), 0, S - 1)
    y_idx = jnp.clip((point_coords[..., 1] * S / 512.0).astype(jnp.int32), 0, S - 1)
    point_embeddings = point_embeddings + pe_layer[y_idx, x_idx]
    # boxes -> repeated box embedding row
    Nb = boxes.shape[1]
    box_embeddings = jnp.tile(box_emb_w[None, :, :], (B, Nb, 1))  # [B, Nb, D]
    sparse_embed = jnp.concatenate([point_embeddings, box_embeddings], axis=1)
    # dense: mask conv encoder
    h = jax.nn.relu(_conv2d(masks, conv1_w, conv1_b, 2))
    h = jax.nn.relu(_conv2d(h, conv2_w, conv2_b, 2))
    dense_embed = _conv2d(h, conv3_w, conv3_b, 1)
    return (sparse_embed, dense_embed)

if __name__ == "__main__":
    import jax
    _d = setup_inputs()
    print(jax.jit(kernel)(*tuple(_d.values())))

</pallas_src>

<mosaic_0001>
#map = affine_map<(d0, d1) -> (0)>
#map1 = affine_map<(d0, d1) -> (0, 0)>
module attributes {stable_mosaic.version = 14 : i64} {
  func.func @_sparse_body(%arg0: i32, %arg1: i32, %arg2: memref<6144xf32, #tpu.memory_space<hbm>>, %arg3: memref<3072x256xf32, #tpu.memory_space<hbm>>, %arg4: memref<2560x256xf32, #tpu.memory_space<hbm>>, %arg5: memref<192xf32, #tpu.memory_space<vmem>>, %arg6: memref<80xi32, #tpu.memory_space<vmem>>, %arg7: memref<80x256xf32, #tpu.memory_space<vmem>>, %arg8: memref<!tpu.dma_semaphore, #tpu.memory_space<semaphore_mem>>) attributes {dimension_semantics = [#tpu.dimension_semantics<core_parallel>, #tpu.dimension_semantics<subcore_parallel>], iteration_bounds = array<i64: 2, 16>, scalar_prefetch = 0 : i64, scratch_operands = 4 : i64, tpu.core_type = #tpu.core_type<sc_vector_subcore>, window_params = [{transform_indices = #map}, {transform_indices = #map1}, {transform_indices = #map1}]} {
    %mul3A = arith.constant 2 : i32
    %mul3A_0 = arith.muli %arg1, %mul3A : i32
    %add3A = arith.addi %mul3A_0, %arg0 : i32
    %mul3A_1 = arith.constant 192 : i32
    %mul3A_2 = arith.muli %add3A, %mul3A_1 : i32
    "tpu.region"() ({
      %run_scoped3A = tpu.sem_alloc : memref<!tpu.dma_semaphore, #tpu.memory_space<semaphore_mem>>
      %dma_start3A_254 = tpu.memref_slice %arg2[%mul3A_2] : memref<6144xf32, #tpu.memory_space<hbm>> -> memref<192xf32, #tpu.memory_space<hbm>>
      %dma_start3A_255 = tpu.memref_slice %arg2[%mul3A_2] : memref<6144xf32, #tpu.memory_space<hbm>> -> memref<192xf32, #tpu.memory_space<hbm>>
      tpu.enqueue_dma source(%dma_start3A_255 : memref<192xf32, #tpu.memory_space<hbm>>) target(%arg5 : memref<192xf32, #tpu.memory_space<vmem>>) target_semaphore(%run_scoped3A : memref<!tpu.dma_semaphore, #tpu.memory_space<semaphore_mem>>)
      %dma_wait3A_256 = tpu.memref_slice %arg2[%mul3A_2] : memref<6144xf32, #tpu.memory_space<hbm>> -> memref<192xf32, #tpu.memory_space<hbm>>
      %dma_wait3A_257 = tpu.memref_slice %arg2[%mul3A_2] : memref<6144xf32, #tpu.memory_space<hbm>> -> memref<192xf32, #tpu.memory_space<hbm>>
      tpu.wait_dma2 semaphore(%run_scoped3A : memref<!tpu.dma_semaphore, #tpu.memory_space<semaphore_mem>>) src(%dma_wait3A_257 : memref<192xf32, #tpu.memory_space<hbm>>) dst(%arg5 : memref<192xf32, #tpu.memory_space<vmem>>)
      tpu.yield
    }) : () -> ()
    %broadcast_in_dim3A = arith.constant 2048 : i32
    %broadcast_in_dim3A_3 = vector.broadcast %broadcast_in_dim3A : i32 to vector<16xi32>
    %get3A = arith.constant 0 : index
    %get3A_4 = tpu.vector_load %arg5[%get3A] {strides = array<i32>} : memref<192xf32, #tpu.memory_space<vmem>>, vector<16xf32>,
    %get3A_5 = vector.shape_cast %get3A_4 : vector<16xf32> to vector<16xf32>
    %get3A_6 = arith.constant 64 : index
    %get3A_7 = tpu.vector_load %arg5[%get3A_6] {strides = array<i32>} : memref<192xf32, #tpu.memory_space<vmem>>, vector<16xf32>,
    %get3A_8 = vector.shape_cast %get3A_7 : vector<16xf32> to vector<16xf32>
    %get3A_9 = arith.constant 128 : index
    %get3A_10 = tpu.vector_load %arg5[%get3A_9] {strides = array<i32>} : memref<192xf32, #tpu.memory_space<vmem>>, vector<16xf32>,
    %get3A_11 = vector.shape_cast %get3A_10 : vector<16xf32> to vector<16xf32>
    %convert_element_type3A = arith.fptosi %get3A_11 : vector<16xf32> to vector<16xi32>
    %mul3A_12 = arith.constant 6.250000e-02 : f32
    %mul3A_13 = vector.broadcast %mul3A_12 : f32 to vector<16xf32>
    %mul3A_14 = arith.mulf %get3A_5, %mul3A_13 : vector<16xf32>
    %convert_element_type3A_15 = arith.fptosi %mul3A_14 : vector<16xf32> to vector<16xi32>
    %jit3A = arith.constant 0 : i32
    %jit3A_16 = arith.constant 31 : i32
    %max3A = vector.broadcast %jit3A : i32 to vector<16xi32>
    %max3A_17 = arith.maxsi %max3A, %convert_element_type3A_15 : vector<16xi32>
    %min3A = vector.broadcast %jit3A_16 : i32 to vector<16xi32>
    %min3A_18 = arith.minsi %min3A, %max3A_17 : vector<16xi32>
    %mul3A_19 = arith.constant 6.250000e-02 : f32
    %mul3A_20 = vector.broadcast %mul3A_19 : f32 to vector<16xf32>
    %mul3A_21 = arith.mulf %get3A_8, %mul3A_20 : vector<16xf32>
    %convert_element_type3A_22 = arith.fptosi %mul3A_21 : vector<16xf32> to vector<16xi32>
    %jit3A_23 = arith.constant 0 : i32
    %jit3A_24 = arith.constant 31 : i32
    %max3A_25 = vector.broadcast %jit3A_23 : i32 to vector<16xi32>
    %max3A_26 = arith.maxsi %max3A_25, %convert_element_type3A_22 : vector<16xi32>
    %min3A_27 = vector.broadcast %jit3A_24 : i32 to vector<16xi32>
    %min3A_28 = arith.minsi %min3A_27, %max3A_26 : vector<16xi32>
    %mul3A_29 = arith.constant 1024 : i32
    %mul3A_30 = vector.broadcast %mul3A_29 : i32 to vector<16xi32>
    %mul3A_31 = arith.muli %convert_element_type3A, %mul3A_30 : vector<16xi32>
    %mul3A_32 = arith.constant 32 : i32
    %mul3A_33 = vector.broadcast %mul3A_32 : i32 to vector<16xi32>
    %mul3A_34 = arith.muli %min3A_28, %mul3A_33 : vector<16xi32>
    %add3A_35 = arith.addi %mul3A_31, %mul3A_34 : vector<16xi32>
    %add3A_36 = arith.addi %add3A_35, %min3A_18 : vector<16xi32>
    %swap3A = arith.constant 0 : index
    %swap3A_37 = tpu.vector_load %arg6[%swap3A] {strides = array<i32>} : memref<80xi32, #tpu.memory_space<vmem>>, vector<16xi32>,
    %swap3A_38 = vector.shape_cast %swap3A_37 : vector<16xi32> to vector<16xi32>
    %swap3A_39 = vector.shape_cast %add3A_36 : vector<16xi32> to vector<16xi32>
    tpu.vector_store %arg6[%swap3A], %swap3A_39 {strides = array<i32>} : memref<80xi32, #tpu.memory_space<vmem>>, vector<16xi32>,
    %get3A_40 = arith.constant 16 : index
    %get3A_41 = tpu.vector_load %arg5[%get3A_40] {strides = array<i32>} : memref<192xf32, #tpu.memory_space<vmem>>, vector<16xf32>,
    %get3A_42 = vector.shape_cast %get3A_41 : vector<16xf32> to vector<16xf32>
    %get3A_43 = arith.constant 80 : index
    %get3A_44 = tpu.vector_load %arg5[%get3A_43] {strides = array<i32>} : memref<192xf32, #tpu.memory_space<vmem>>, vector<16xf32>,
    %get3A_45 = vector.shape_cast %get3A_44 : vector<16xf32> to vector<16xf32>
    %get3A_46 = arith.constant 144 : index
    %get3A_47 = tpu.vector_load %arg5[%get3A_46] {strides = array<i32>} : memref<192xf32, #tpu.memory_space<vmem>>, vector<16xf32>,
    %get3A_48 = vector.shape_cast %get3A_47 : vector<16xf32> to vector<16xf32>
    %convert_element_type3A_49 = arith.fptosi %get3A_48 : vector<16xf32> to vector<16xi32>
    %mul3A_50 = arith.constant 6.250000e-02 : f32
    %mul3A_51 = vector.broadcast %mul3A_50 : f32 to vector<16xf32>
    %mul3A_52 = arith.mulf %get3A_42, %mul3A_51 : vector<16xf32>
    %convert_element_type3A_53 = arith.fptosi %mul3A_52 : vector<16xf32> to vector<16xi32>
    %jit3A_54 = arith.constant 0 : i32
    %jit3A_55 = arith.constant 31 : i32
    %max3A_56 = vector.broadcast %jit3A_54 : i32 to vector<16xi32>
    %max3A_57 = arith.maxsi %max3A_56, %convert_element_type3A_53 : vector<16xi32>
    %min3A_58 = vector.broadcast %jit3A_55 : i32 to vector<16xi32>
    %min3A_59 = arith.minsi %min3A_58, %max3A_57 : vector<16xi32>
    %mul3A_60 = arith.constant 6.250000e-02 : f32
    %mul3A_61 = vector.broadcast %mul3A_60 : f32 to vector<16xf32>
    %mul3A_62 = arith.mulf %get3A_45, %mul3A_61 : vector<16xf32>
    %convert_element_type3A_63 = arith.fptosi %mul3A_62 : vector<16xf32> to vector<16xi32>
    %jit3A_64 = arith.constant 0 : i32
    %jit3A_65 = arith.constant 31 : i32
    %max3A_66 = vector.broadcast %jit3A_64 : i32 to vector<16xi32>
    %max3A_67 = arith.maxsi %max3A_66, %convert_element_type3A_63 : vector<16xi32>
    %min3A_68 = vector.broadcast %jit3A_65 : i32 to vector<16xi32>
    %min3A_69 = arith.minsi %min3A_68, %max3A_67 : vector<16xi32>
    %mul3A_70 = arith.constant 1024 : i32
    %mul3A_71 = vector.broadcast %mul3A_70 : i32 to vector<16xi32>
    %mul3A_72 = arith.muli %convert_element_type3A_49, %mul3A_71 : vector<16xi32>
    %mul3A_73 = arith.constant 32 : i32
    %mul3A_74 = vector.broadcast %mul3A_73 : i32 to vector<16xi32>
    %mul3A_75 = arith.muli %min3A_69, %mul3A_74 : vector<16xi32>
    %add3A_76 = arith.addi %mul3A_72, %mul3A_75 : vector<16xi32>
    %add3A_77 = arith.addi %add3A_76, %min3A_59 : vector<16xi32>
    %swap3A_78 = arith.constant 16 : index
    %swap3A_79 = tpu.vector_load %arg6[%swap3A_78] {strides = array<i32>} : memref<80xi32, #tpu.memory_space<vmem>>, vector<16xi32>,
    %swap3A_80 = vector.shape_cast %swap3A_79 : vector<16xi32> to vector<16xi32>
    %swap3A_81 = vector.shape_cast %add3A_77 : vector<16xi32> to vector<16xi32>
    tpu.vector_store %arg6[%swap3A_78], %swap3A_81 {strides = array<i32>} : memref<80xi32, #tpu.memory_space<vmem>>, vector<16xi32>,
    %swap3A_82 = arith.constant 32 : index
    %swap3A_83 = tpu.vector_load %arg6[%swap3A_82] {strides = array<i32>} : memref<80xi32, #tpu.memory_space<vmem>>, vector<16xi32>,
    %swap3A_84 = vector.shape_cast %swap3A_83 : vector<16xi32> to vector<16xi32>
    %swap3A_85 = vector.shape_cast %broadcast_in_dim3A_3 : vector<16xi32> to vector<16xi32>
    tpu.vector_store %arg6[%swap3A_82], %swap3A_85 {strides = array<i32>} : memref<80xi32, #tpu.memory_space<vmem>>, vector<16xi32>,
    %get3A_86 = arith.constant 32 : index
    %get3A_87 = tpu.vector_load %arg5[%get3A_86] {strides = array<i32>} : memref<192xf32, #tpu.memory_space<vmem>>, vector<16xf32>,
    %get3A_88 = vector.shape_cast %get3A_87 : vector<16xf32> to vector<16xf32>
    %get3A_89 = arith.constant 96 : index
    %get3A_90 = tpu.vector_load %arg5[%get3A_89] {strides = array<i32>} : memref<192xf32, #tpu.memory_space<vmem>>, vector<16xf32>,
    %get3A_91 = vector.shape_cast %get3A_90 : vector<16xf32> to vector<16xf32>
    %get3A_92 = arith.constant 160 : index
    %get3A_93 = tpu.vector_load %arg5[%get3A_92] {strides = array<i32>} : memref<192xf32, #tpu.memory_space<vmem>>, vector<16xf32>,
    %get3A_94 = vector.shape_cast %get3A_93 : vector<16xf32> to vector<16xf32>
    %convert_element_type3A_95 = arith.fptosi %get3A_94 : vector<16xf32> to vector<16xi32>
    %mul3A_96 = arith.constant 6.250000e-02 : f32
    %mul3A_97 = vector.broadcast %mul3A_96 : f32 to vector<16xf32>
    %mul3A_98 = arith.mulf %get3A_88, %mul3A_97 : vector<16xf32>
    %convert_element_type3A_99 = arith.fptosi %mul3A_98 : vector<16xf32> to vector<16xi32>
    %jit3A_100 = arith.constant 0 : i32
    %jit3A_101 = arith.constant 31 : i32
    %max3A_102 = vector.broadcast %jit3A_100 : i32 to vector<16xi32>
    %max3A_103 = arith.maxsi %max3A_102, %convert_element_type3A_99 : vector<16xi32>
    %min3A_104 = vector.broadcast %jit3A_101 : i32 to vector<16xi32>
    %min3A_105 = arith.minsi %min3A_104, %max3A_103 : vector<16xi32>
    %mul3A_106 = arith.constant 6.250000e-02 : f32
    %mul3A_107 = vector.broadcast %mul3A_106 : f32 to vector<16xf32>
    %mul3A_108 = arith.mulf %get3A_91, %mul3A_107 : vector<16xf32>
    %convert_element_type3A_109 = arith.fptosi %mul3A_108 : vector<16xf32> to vector<16xi32>
    %jit3A_110 = arith.constant 0 : i32
    %jit3A_111 = arith.constant 31 : i32
    %max3A_112 = vector.broadcast %jit3A_110 : i32 to vector<16xi32>
    %max3A_113 = arith.maxsi %max3A_112, %convert_element_type3A_109 : vector<16xi32>
    %min3A_114 = vector.broadcast %jit3A_111 : i32 to vector<16xi32>
    %min3A_115 = arith.minsi %min3A_114, %max3A_113 : vector<16xi32>
    %mul3A_116 = arith.constant 1024 : i32
    %mul3A_117 = vector.broadcast %mul3A_116 : i32 to vector<16xi32>
    %mul3A_118 = arith.muli %convert_element_type3A_95, %mul3A_117 : vector<16xi32>
    %mul3A_119 = arith.constant 32 : i32
    %mul3A_120 = vector.broadcast %mul3A_119 : i32 to vector<16xi32>
    %mul3A_121 = arith.muli %min3A_115, %mul3A_120 : vector<16xi32>
    %add3A_122 = arith.addi %mul3A_118, %mul3A_121 : vector<16xi32>
    %add3A_123 = arith.addi %add3A_122, %min3A_105 : vector<16xi32>
    %swap3A_124 = arith.constant 40 : index
    %swap3A_125 = tpu.vector_load %arg6[%swap3A_124] {strides = array<i32>} : memref<80xi32, #tpu.memory_space<vmem>>, vector<16xi32>,
    %swap3A_126 = vector.shape_cast %swap3A_125 : vector<16xi32> to vector<16xi32>
    %swap3A_127 = vector.shape_cast %add3A_123 : vector<16xi32> to vector<16xi32>
    tpu.vector_store %arg6[%swap3A_124], %swap3A_127 {strides = array<i32>} : memref<80xi32, #tpu.memory_space<vmem>>, vector<16xi32>,
    %swap3A_128 = arith.constant 64 : index
    %swap3A_129 = tpu.vector_load %arg6[%swap3A_128] {strides = array<i32>} : memref<80xi32, #tpu.memory_space<vmem>>, vector<16xi32>,
    %swap3A_130 = vector.shape_cast %swap3A_129 : vector<16xi32> to vector<16xi32>
    %swap3A_131 = vector.shape_cast %broadcast_in_dim3A_3 : vector<16xi32> to vector<16xi32>
    tpu.vector_store %arg6[%swap3A_128], %swap3A_131 {strides = array<i32>} : memref<80xi32, #tpu.memory_space<vmem>>, vector<16xi32>,
    %get3A_132 = arith.constant 48 : index
    %get3A_133 = tpu.vector_load %arg5[%get3A_132] {strides = array<i32>} : memref<192xf32, #tpu.memory_space<vmem>>, vector<16xf32>,
    %get3A_134 = vector.shape_cast %get3A_133 : vector<16xf32> to vector<16xf32>
    %get3A_135 = arith.constant 112 : index
    %get3A_136 = tpu.vector_load %arg5[%get3A_135] {strides = array<i32>} : memref<192xf32, #tpu.memory_space<vmem>>, vector<16xf32>,
    %get3A_137 = vector.shape_cast %get3A_136 : vector<16xf32> to vector<16xf32>
    %get3A_138 = arith.constant 176 : index
    %get3A_139 = tpu.vector_load %arg5[%get3A_138] {strides = array<i32>} : memref<192xf32, #tpu.memory_space<vmem>>, vector<16xf32>,
    %get3A_140 = vector.shape_cast %get3A_139 : vector<16xf32> to vector<16xf32>
    %convert_element_type3A_141 = arith.fptosi %get3A_140 : vector<16xf32> to vector<16xi32>
    %mul3A_142 = arith.constant 6.250000e-02 : f32
    %mul3A_143 = vector.broadcast %mul3A_142 : f32 to vector<16xf32>
    %mul3A_144 = arith.mulf %get3A_134, %mul3A_143 : vector<16xf32>
    %convert_element_type3A_145 = arith.fptosi %mul3A_144 : vector<16xf32> to vector<16xi32>
    %jit3A_146 = arith.constant 0 : i32
    %jit3A_147 = arith.constant 31 : i32
    %max3A_148 = vector.broadcast %jit3A_146 : i32 to vector<16xi32>
    %max3A_149 = arith.maxsi %max3A_148, %convert_element_type3A_145 : vector<16xi32>
    %min3A_150 = vector.broadcast %jit3A_147 : i32 to vector<16xi32>
    %min3A_151 = arith.minsi %min3A_150, %max3A_149 : vector<16xi32>
    %mul3A_152 = arith.constant 6.250000e-02 : f32
    %mul3A_153 = vector.broadcast %mul3A_152 : f32 to vector<16xf32>
    %mul3A_154 = arith.mulf %get3A_137, %mul3A_153 : vector<16xf32>
    %convert_element_type3A_155 = arith.fptosi %mul3A_154 : vector<16xf32> to vector<16xi32>
    %jit3A_156 = arith.constant 0 : i32
    %jit3A_157 = arith.constant 31 : i32
    %max3A_158 = vector.broadcast %jit3A_156 : i32 to vector<16xi32>
    %max3A_159 = arith.maxsi %max3A_158, %convert_element_type3A_155 : vector<16xi32>
    %min3A_160 = vector.broadcast %jit3A_157 : i32 to vector<16xi32>
    %min3A_161 = arith.minsi %min3A_160, %max3A_159 : vector<16xi32>
    %mul3A_162 = arith.constant 1024 : i32
    %mul3A_163 = vector.broadcast %mul3A_162 : i32 to vector<16xi32>
    %mul3A_164 = arith.muli %convert_element_type3A_141, %mul3A_163 : vector<16xi32>
    %mul3A_165 = arith.constant 32 : i32
    %mul3A_166 = vector.broadcast %mul3A_165 : i32 to vector<16xi32>
    %mul3A_167 = arith.muli %min3A_161, %mul3A_166 : vector<16xi32>
    %add3A_168 = arith.addi %mul3A_164, %mul3A_167 : vector<16xi32>
    %add3A_169 = arith.addi %add3A_168, %min3A_151 : vector<16xi32>
    %swap3A_170 = arith.constant 56 : index
    %swap3A_171 = tpu.vector_load %arg6[%swap3A_170] {strides = array<i32>} : memref<80xi32, #tpu.memory_space<vmem>>, vector<16xi32>,
    %swap3A_172 = vector.shape_cast %swap3A_171 : vector<16xi32> to vector<16xi32>
    %swap3A_173 = vector.shape_cast %add3A_169 : vector<16xi32> to vector<16xi32>
    tpu.vector_store %arg6[%swap3A_170], %swap3A_173 {strides = array<i32>} : memref<80xi32, #tpu.memory_space<vmem>>, vector<16xi32>,
    %dma_start3A = arith.constant 0 : i32
    %dma_start3A_174 = arith.constant 0 : i32
    %dma_start3A_175 = tpu.memref_slice %arg7[%dma_start3A, %dma_start3A_174] : memref<80x256xf32, #tpu.memory_space<vmem>> -> memref<16x256xf32, #tpu.memory_space<vmem>>
    %dma_start3A_176 = arith.constant 0 : i32
    %dma_start3A_177 = tpu.memref_slice %arg6[%dma_start3A_176] : memref<80xi32, #tpu.memory_space<vmem>> -> memref<16xi32, #tpu.memory_space<vmem>>
    %dma_start3A_178 = arith.constant 0 : i32
    %dma_start3A_179 = arith.constant 0 : i32
    %dma_start3A_180 = tpu.memref_slice %arg3[%dma_start3A_178, %dma_start3A_179] : memref<3072x256xf32, #tpu.memory_space<hbm>> -> memref<3072x256xf32, #tpu.memory_space<hbm>>
    tpu.enqueue_indirect_dma source(%dma_start3A_180 : memref<3072x256xf32, #tpu.memory_space<hbm>>) target(%dma_start3A_175 : memref<16x256xf32, #tpu.memory_space<vmem>>) offsets(%dma_start3A_177 : memref<16xi32, #tpu.memory_space<vmem>>) semaphore(%arg8 : memref<!tpu.dma_semaphore, #tpu.memory_space<semaphore_mem>>)
    %dma_start3A_181 = arith.constant 16 : i32
    %dma_start3A_182 = arith.constant 0 : i32
    %dma_start3A_183 = tpu.memref_slice %arg7[%dma_start3A_181, %dma_start3A_182] : memref<80x256xf32, #tpu.memory_space<vmem>> -> memref<16x256xf32, #tpu.memory_space<vmem>>
    %dma_start3A_184 = arith.constant 16 : i32
    %dma_start3A_185 = tpu.memref_slice %arg6[%dma_start3A_184] : memref<80xi32, #tpu.memory_space<vmem>> -> memref<16xi32, #tpu.memory_space<vmem>>
    %dma_start3A_186 = arith.constant 0 : i32
    %dma_start3A_187 = arith.constant 0 : i32
    %dma_start3A_188 = tpu.memref_slice %arg3[%dma_start3A_186, %dma_start3A_187] : memref<3072x256xf32, #tpu.memory_space<hbm>> -> memref<3072x256xf32, #tpu.memory_space<hbm>>
    tpu.enqueue_indirect_dma source(%dma_start3A_188 : memref<3072x256xf32, #tpu.memory_space<hbm>>) target(%dma_start3A_183 : memref<16x256xf32, #tpu.memory_space<vmem>>) offsets(%dma_start3A_185 : memref<16xi32, #tpu.memory_space<vmem>>) semaphore(%arg8 : memref<!tpu.dma_semaphore, #tpu.memory_space<semaphore_mem>>)
    %dma_start3A_189 = arith.constant 32 : i32
    %dma_start3A_190 = arith.constant 0 : i32
    %dma_start3A_191 = tpu.memref_slice %arg7[%dma_start3A_189, %dma_start3A_190] : memref<80x256xf32, #tpu.memory_space<vmem>> -> memref<16x256xf32, #tpu.memory_space<vmem>>
    %dma_start3A_192 = arith.constant 32 : i32
    %dma_start3A_193 = tpu.memref_slice %arg6[%dma_start3A_192] : memref<80xi32, #tpu.memory_space<vmem>> -> memref<16xi32, #tpu.memory_space<vmem>>
    %dma_start3A_194 = arith.constant 0 : i32
    %dma_start3A_195 = arith.constant 0 : i32
    %dma_start3A_196 = tpu.memref_slice %arg3[%dma_start3A_194, %dma_start3A_195] : memref<3072x256xf32, #tpu.memory_space<hbm>> -> memref<3072x256xf32, #tpu.memory_space<hbm>>
    tpu.enqueue_indirect_dma source(%dma_start3A_196 : memref<3072x256xf32, #tpu.memory_space<hbm>>) target(%dma_start3A_191 : memref<16x256xf32, #tpu.memory_space<vmem>>) offsets(%dma_start3A_193 : memref<16xi32, #tpu.memory_space<vmem>>) semaphore(%arg8 : memref<!tpu.dma_semaphore, #tpu.memory_space<semaphore_mem>>)
    %dma_start3A_197 = arith.constant 48 : i32
    %dma_start3A_198 = arith.constant 0 : i32
    %dma_start3A_199 = tpu.memref_slice %arg7[%dma_start3A_197, %dma_start3A_198] : memref<80x256xf32, #tpu.memory_space<vmem>> -> memref<16x256xf32, #tpu.memory_space<vmem>>
    %dma_start3A_200 = arith.constant 48 : i32
    %dma_start3A_201 = tpu.memref_slice %arg6[%dma_start3A_200] : memref<80xi32, #tpu.memory_space<vmem>> -> memref<16xi32, #tpu.memory_space<vmem>>
    %dma_start3A_202 = arith.constant 0 : i32
    %dma_start3A_203 = arith.constant 0 : i32
    %dma_start3A_204 = tpu.memref_slice %arg3[%dma_start3A_202, %dma_start3A_203] : memref<3072x256xf32, #tpu.memory_space<hbm>> -> memref<3072x256xf32, #tpu.memory_space<hbm>>
    tpu.enqueue_indirect_dma source(%dma_start3A_204 : memref<3072x256xf32, #tpu.memory_space<hbm>>) target(%dma_start3A_199 : memref<16x256xf32, #tpu.memory_space<vmem>>) offsets(%dma_start3A_201 : memref<16xi32, #tpu.memory_space<vmem>>) semaphore(%arg8 : memref<!tpu.dma_semaphore, #tpu.memory_space<semaphore_mem>>)
    %dma_start3A_205 = arith.constant 64 : i32
    %dma_start3A_206 = arith.constant 0 : i32
    %dma_start3A_207 = tpu.memref_slice %arg7[%dma_start3A_205, %dma_start3A_206] : memref<80x256xf32, #tpu.memory_space<vmem>> -> memref<16x256xf32, #tpu.memory_space<vmem>>
    %dma_start3A_208 = arith.constant 64 : i32
    %dma_start3A_209 = tpu.memref_slice %arg6[%dma_start3A_208] : memref<80xi32, #tpu.memory_space<vmem>> -> memref<16xi32, #tpu.memory_space<vmem>>
    %dma_start3A_210 = arith.constant 0 : i32
    %dma_start3A_211 = arith.constant 0 : i32
    %dma_start3A_212 = tpu.memref_slice %arg3[%dma_start3A_210, %dma_start3A_211] : memref<3072x256xf32, #tpu.memory_space<hbm>> -> memref<3072x256xf32, #tpu.memory_space<hbm>>
    tpu.enqueue_indirect_dma source(%dma_start3A_212 : memref<3072x256xf32, #tpu.memory_space<hbm>>) target(%dma_start3A_207 : memref<16x256xf32, #tpu.memory_space<vmem>>) offsets(%dma_start3A_209 : memref<16xi32, #tpu.memory_space<vmem>>) semaphore(%arg8 : memref<!tpu.dma_semaphore, #tpu.memory_space<semaphore_mem>>)
    %dma_wait3A = arith.constant 0 : i32
    %dma_wait3A_213 = arith.constant 0 : i32
    %dma_wait3A_214 = tpu.memref_slice %arg7[%dma_wait3A, %dma_wait3A_213] : memref<80x256xf32, #tpu.memory_space<vmem>> -> memref<16x256xf32, #tpu.memory_space<vmem>>
    %dma_wait3A_215 = arith.constant 0 : i32
    %dma_wait3A_216 = tpu.memref_slice %arg6[%dma_wait3A_215] : memref<80xi32, #tpu.memory_space<vmem>> -> memref<16xi32, #tpu.memory_space<vmem>>
    %dma_wait3A_217 = arith.constant 0 : i32
    %dma_wait3A_218 = arith.constant 0 : i32
    %dma_wait3A_219 = tpu.memref_slice %arg3[%dma_wait3A_217, %dma_wait3A_218] : memref<3072x256xf32, #tpu.memory_space<hbm>> -> memref<3072x256xf32, #tpu.memory_space<hbm>>
    tpu.wait_indirect_dma semaphore(%arg8 : memref<!tpu.dma_semaphore, #tpu.memory_space<semaphore_mem>>) src(%dma_wait3A_219 : memref<3072x256xf32, #tpu.memory_space<hbm>>) dst(%dma_wait3A_214 : memref<16x256xf32, #tpu.memory_space<vmem>>)
    %dma_wait3A_220 = arith.constant 16 : i32
    %dma_wait3A_221 = arith.constant 0 : i32
    %dma_wait3A_222 = tpu.memref_slice %arg7[%dma_wait3A_220, %dma_wait3A_221] : memref<80x256xf32, #tpu.memory_space<vmem>> -> memref<16x256xf32, #tpu.memory_space<vmem>>
    %dma_wait3A_223 = arith.constant 16 : i32
    %dma_wait3A_224 = tpu.memref_slice %arg6[%dma_wait3A_223] : memref<80xi32, #tpu.memory_space<vmem>> -> memref<16xi32, #tpu.memory_space<vmem>>
    %dma_wait3A_225 = arith.constant 0 : i32
    %dma_wait3A_226 = arith.constant 0 : i32
    %dma_wait3A_227 = tpu.memref_slice %arg3[%dma_wait3A_225, %dma_wait3A_226] : memref<3072x256xf32, #tpu.memory_space<hbm>> -> memref<3072x256xf32, #tpu.memory_space<hbm>>
    tpu.wait_indirect_dma semaphore(%arg8 : memref<!tpu.dma_semaphore, #tpu.memory_space<semaphore_mem>>) src(%dma_wait3A_227 : memref<3072x256xf32, #tpu.memory_space<hbm>>) dst(%dma_wait3A_222 : memref<16x256xf32, #tpu.memory_space<vmem>>)
    %dma_wait3A_228 = arith.constant 32 : i32
    %dma_wait3A_229 = arith.constant 0 : i32
    %dma_wait3A_230 = tpu.memref_slice %arg7[%dma_wait3A_228, %dma_wait3A_229] : memref<80x256xf32, #tpu.memory_space<vmem>> -> memref<16x256xf32, #tpu.memory_space<vmem>>
    %dma_wait3A_231 = arith.constant 32 : i32
    %dma_wait3A_232 = tpu.memref_slice %arg6[%dma_wait3A_231] : memref<80xi32, #tpu.memory_space<vmem>> -> memref<16xi32, #tpu.memory_space<vmem>>
    %dma_wait3A_233 = arith.constant 0 : i32
    %dma_wait3A_234 = arith.constant 0 : i32
    %dma_wait3A_235 = tpu.memref_slice %arg3[%dma_wait3A_233, %dma_wait3A_234] : memref<3072x256xf32, #tpu.memory_space<hbm>> -> memref<3072x256xf32, #tpu.memory_space<hbm>>
    tpu.wait_indirect_dma semaphore(%arg8 : memref<!tpu.dma_semaphore, #tpu.memory_space<semaphore_mem>>) src(%dma_wait3A_235 : memref<3072x256xf32, #tpu.memory_space<hbm>>) dst(%dma_wait3A_230 : memref<16x256xf32, #tpu.memory_space<vmem>>)
    %dma_wait3A_236 = arith.constant 48 : i32
    %dma_wait3A_237 = arith.constant 0 : i32
    %dma_wait3A_238 = tpu.memref_slice %arg7[%dma_wait3A_236, %dma_wait3A_237] : memref<80x256xf32, #tpu.memory_space<vmem>> -> memref<16x256xf32, #tpu.memory_space<vmem>>
    %dma_wait3A_239 = arith.constant 48 : i32
    %dma_wait3A_240 = tpu.memref_slice %arg6[%dma_wait3A_239] : memref<80xi32, #tpu.memory_space<vmem>> -> memref<16xi32, #tpu.memory_space<vmem>>
    %dma_wait3A_241 = arith.constant 0 : i32
    %dma_wait3A_242 = arith.constant 0 : i32
    %dma_wait3A_243 = tpu.memref_slice %arg3[%dma_wait3A_241, %dma_wait3A_242] : memref<3072x256xf32, #tpu.memory_space<hbm>> -> memref<3072x256xf32, #tpu.memory_space<hbm>>
    tpu.wait_indirect_dma semaphore(%arg8 : memref<!tpu.dma_semaphore, #tpu.memory_space<semaphore_mem>>) src(%dma_wait3A_243 : memref<3072x256xf32, #tpu.memory_space<hbm>>) dst(%dma_wait3A_238 : memref<16x256xf32, #tpu.memory_space<vmem>>)
    %dma_wait3A_244 = arith.constant 64 : i32
    %dma_wait3A_245 = arith.constant 0 : i32
    %dma_wait3A_246 = tpu.memref_slice %arg7[%dma_wait3A_244, %dma_wait3A_245] : memref<80x256xf32, #tpu.memory_space<vmem>> -> memref<16x256xf32, #tpu.memory_space<vmem>>
    %dma_wait3A_247 = arith.constant 64 : i32
    %dma_wait3A_248 = tpu.memref_slice %arg6[%dma_wait3A_247] : memref<80xi32, #tpu.memory_space<vmem>> -> memref<16xi32, #tpu.memory_space<vmem>>
    %dma_wait3A_249 = arith.constant 0 : i32
    %dma_wait3A_250 = arith.constant 0 : i32
    %dma_wait3A_251 = tpu.memref_slice %arg3[%dma_wait3A_249, %dma_wait3A_250] : memref<3072x256xf32, #tpu.memory_space<hbm>> -> memref<3072x256xf32, #tpu.memory_space<hbm>>
    tpu.wait_indirect_dma semaphore(%arg8 : memref<!tpu.dma_semaphore, #tpu.memory_space<semaphore_mem>>) src(%dma_wait3A_251 : memref<3072x256xf32, #tpu.memory_space<hbm>>) dst(%dma_wait3A_246 : memref<16x256xf32, #tpu.memory_space<vmem>>)
    %mul3A_252 = arith.constant 80 : i32
    %mul3A_253 = arith.muli %add3A, %mul3A_252 : i32
    "tpu.region"() ({
      %run_scoped3A = tpu.sem_alloc : memref<!tpu.dma_semaphore, #tpu.memory_space<semaphore_mem>>
      %dma_start3A_254 = arith.constant 0 : i32
      %dma_start3A_255 = tpu.memref_slice %arg4[%mul3A_253, %dma_start3A_254] : memref<2560x256xf32, #tpu.memory_space<hbm>> -> memref<80x256xf32, #tpu.memory_space<hbm>>
      %dma_start3A_256 = arith.constant 0 : i32
      %dma_start3A_257 = tpu.memref_slice %arg4[%mul3A_253, %dma_start3A_256] : memref<2560x256xf32, #tpu.memory_space<hbm>> -> memref<80x256xf32, #tpu.memory_space<hbm>>
      tpu.enqueue_dma source(%arg7 : memref<80x256xf32, #tpu.memory_space<vmem>>) target(%dma_start3A_257 : memref<80x256xf32, #tpu.memory_space<hbm>>) target_semaphore(%run_scoped3A : memref<!tpu.dma_semaphore, #tpu.memory_space<semaphore_mem>>)
      %dma_wait3A_258 = arith.constant 0 : i32
      %dma_wait3A_259 = tpu.memref_slice %arg4[%mul3A_253, %dma_wait3A_258] : memref<2560x256xf32, #tpu.memory_space<hbm>> -> memref<80x256xf32, #tpu.memory_space<hbm>>
      %dma_wait3A_260 = arith.constant 0 : i32
      %dma_wait3A_261 = tpu.memref_slice %arg4[%mul3A_253, %dma_wait3A_260] : memref<2560x256xf32, #tpu.memory_space<hbm>> -> memref<80x256xf32, #tpu.memory_space<hbm>>
      tpu.wait_dma2 semaphore(%run_scoped3A : memref<!tpu.dma_semaphore, #tpu.memory_space<semaphore_mem>>) src(%arg7 : memref<80x256xf32, #tpu.memory_space<vmem>>) dst(%dma_wait3A_261 : memref<80x256xf32, #tpu.memory_space<hbm>>)
      tpu.yield
    }) : () -> ()
    return
  }
}

module attributes {stable_mosaic.version = 14 : i64} {
  func.func @_fuse_body(%arg0: i32, %arg1: memref<1024x256xf32, #tpu.memory_space<vmem>>, %arg2: memref<1x1x256xf32, #tpu.memory_space<vmem>>, %arg3: memref<1x1024x256xf32, #tpu.memory_space<vmem>>) attributes {dimension_semantics = [#tpu.dimension_semantics<arbitrary>], iteration_bounds = array<i64: 3>, scalar_prefetch = 0 : i64, scratch_operands = 0 : i64, tpu.core_type = #tpu.core_type<tc>, window_params = [{pipeline_mode = #tpu.pipeline_mode<synchronous>, transform_indices = @transform_0, window_bounds = array<i64: 1024, 256>}, {transform_indices = @transform_1, window_bounds = array<i64: 1, 1, 256>}, {transform_indices = @transform_2, window_bounds = array<i64: 1, 1024, 256>}]} {
    %eq3A = arith.constant 2 : i32
    %eq3A_0 = arith.cmpi eq, %arg0, %eq3A : i32
    %jit3A = arith.constant 0.000000e+00 : f32
    %jit3A_1 = arith.constant 1.000000e+00 : f32
    %select_n3A = arith.select %eq3A_0, %jit3A, %jit3A_1 : f32
    %get3A = arith.constant 0 : index
    %get3A_2 = arith.constant 0 : index
    %get3A_3 = vector.load %arg1[%get3A, %get3A_2] : memref<1024x256xf32, #tpu.memory_space<vmem>>, vector<1024x256xf32>
    %mul3A = vector.broadcast %select_n3A : f32 to vector<1024x256xf32>
    %mul3A_4 = arith.mulf %get3A_3, %mul3A : vector<1024x256xf32>
    %get3A_5 = arith.constant 0 : index
    %get3A_6 = arith.constant 0 : index
    %get3A_7 = arith.constant 0 : index
    %get3A_8 = vector.load %arg2[%get3A_5, %get3A_6, %get3A_7] : memref<1x1x256xf32, #tpu.memory_space<vmem>>, vector<1x1x256xf32>
    %get3A_9 = vector.shape_cast %get3A_8 : vector<1x1x256xf32> to vector<1x256xf32>
    %add3A = vector.broadcast %get3A_9 : vector<1x256xf32> to vector<1024x256xf32>
    %add3A_10 = arith.addf %mul3A_4, %add3A : vector<1024x256xf32>
    %swap3A = arith.constant 0 : index
    %swap3A_11 = arith.constant 0 : index
    %swap3A_12 = arith.constant 0 : index
    %swap3A_13 = vector.load %arg3[%swap3A, %swap3A_11, %swap3A_12] : memref<1x1024x256xf32, #tpu.memory_space<vmem>>, vector<1x1024x256xf32>
    %swap3A_14 = vector.shape_cast %swap3A_13 : vector<1x1024x256xf32> to vector<1024x256xf32>
    %swap3A_15 = vector.shape_cast %add3A_10 : vector<1024x256xf32> to vector<1x1024x256xf32>
    tpu.vector_store %arg3[%swap3A, %swap3A_11, %swap3A_12], %swap3A_15 {strides = array<i32>} : memref<1x1024x256xf32, #tpu.memory_space<vmem>>, vector<1x1024x256xf32>,
    return
  }
  func.func @transform_0(%arg0: i32) -> (i32, i32) {
    %c0_i32 = arith.constant 0 : i32
    %c0_i32_0 = arith.constant 0 : i32
    %c0_i32_1 = arith.constant 0 : i32
    return %c0_i32, %c0_i32_0 : i32, i32
  }
  func.func @transform_1(%arg0: i32) -> (i32, i32, i32) {
    %c0_i32 = arith.constant 0 : i32
    %c0_i32_0 = arith.constant 0 : i32
    %c0_i32_1 = arith.constant 0 : i32
    return %arg0, %c0_i32, %c0_i32_0 : i32, i32, i32
  }
  func.func @transform_2(%arg0: i32) -> (i32, i32, i32) {
    %c0_i32 = arith.constant 0 : i32
    %c0_i32_0 = arith.constant 0 : i32
    %c0_i32_1 = arith.constant 0 : i32
    return %arg0, %c0_i32, %c0_i32_0 : i32, i32, i32
  }
}

module attributes {stable_mosaic.version = 14 : i64} {
  func.func @_dense_body(%arg0: i32, %arg1: memref<8x16x1024xf32, #tpu.memory_space<vmem>>, %arg2: memref<256x16xf32, #tpu.memory_space<vmem>>, %arg3: memref<256x1xf32, #tpu.memory_space<vmem>>, %arg4: memref<256x256xf32, #tpu.memory_space<vmem>>, %arg5: memref<256x1xf32, #tpu.memory_space<vmem>>, %arg6: memref<256x256xf32, #tpu.memory_space<vmem>>, %arg7: memref<256x1xf32, #tpu.memory_space<vmem>>, %arg8: memref<8x256x1024xbf16, #tpu.memory_space<vmem>>) attributes {dimension_semantics = [#tpu.dimension_semantics<arbitrary>], iteration_bounds = array<i64: 8>, scalar_prefetch = 0 : i64, scratch_operands = 0 : i64, tpu.core_type = #tpu.core_type<tc>, window_params = [{transform_indices = @transform_0, window_bounds = array<i64: 8, 16, 1024>}, {pipeline_mode = #tpu.pipeline_mode<synchronous>, transform_indices = @transform_1, window_bounds = array<i64: 256, 16>}, {pipeline_mode = #tpu.pipeline_mode<synchronous>, transform_indices = @transform_2, window_bounds = array<i64: 256, 1>}, {pipeline_mode = #tpu.pipeline_mode<synchronous>, transform_indices = @transform_3, window_bounds = array<i64: 256, 256>}, {pipeline_mode = #tpu.pipeline_mode<synchronous>, transform_indices = @transform_4, window_bounds = array<i64: 256, 1>}, {pipeline_mode = #tpu.pipeline_mode<synchronous>, transform_indices = @transform_5, window_bounds = array<i64: 256, 256>}, {pipeline_mode = #tpu.pipeline_mode<synchronous>, transform_indices = @transform_6, window_bounds = array<i64: 256, 1>}, {transform_indices = @transform_7, window_bounds = array<i64: 8, 256, 1024>}]} {
    %get3A = arith.constant 0 : index
    %get3A_0 = arith.constant 0 : index
    %get3A_1 = arith.constant 0 : index
    %get3A_2 = vector.load %arg1[%get3A, %get3A_0, %get3A_1] : memref<8x16x1024xf32, #tpu.memory_space<vmem>>, vector<1x16x1024xf32>
    %get3A_3 = vector.shape_cast %get3A_2 : vector<1x16x1024xf32> to vector<16x1024xf32>
    %get3A_4 = arith.constant 0 : index
    %get3A_5 = arith.constant 0 : index
    %get3A_6 = vector.load %arg2[%get3A_4, %get3A_5] : memref<256x16xf32, #tpu.memory_space<vmem>>, vector<256x16xf32>
    %dot_general3A = arith.constant dense<0.000000e+00> : vector<256x1024xf32>
    %dot_general3A_7 = tpu.matmul %get3A_6, %get3A_3, %dot_general3A {dimension_numbers = #tpu.dot_dimension_numbers<[1], [0], [0], [1], [0, 0, 1, 1], [], []>, transpose_lhs_hint = false} : vector<256x16xf32>, vector<16x1024xf32>, vector<256x1024xf32> -> vector<256x1024xf32>
    %get3A_8 = arith.constant 0 : index
    %get3A_9 = arith.constant 0 : index
    %get3A_10 = vector.load %arg3[%get3A_8, %get3A_9] : memref<256x1xf32, #tpu.memory_space<vmem>>, vector<256x1xf32>
    %add3A = vector.broadcast %get3A_10 : vector<256x1xf32> to vector<256x1024xf32>
    %add3A_11 = arith.addf %dot_general3A_7, %add3A : vector<256x1024xf32>
    %max3A = arith.constant 0.000000e+00 : f32
    %max3A_12 = vector.broadcast %max3A : f32 to vector<256x1024xf32>
    %max3A_13 = arith.maximumf %add3A_11, %max3A_12 : vector<256x1024xf32>
    %get3A_14 = arith.constant 0 : index
    %get3A_15 = arith.constant 0 : index
    %get3A_16 = vector.load %arg4[%get3A_14, %get3A_15] : memref<256x256xf32, #tpu.memory_space<vmem>>, vector<256x256xf32>
    %dot_general3A_17 = arith.constant dense<0.000000e+00> : vector<256x1024xf32>
    %dot_general3A_18 = tpu.matmul %get3A_16, %max3A_13, %dot_general3A_17 {dimension_numbers = #tpu.dot_dimension_numbers<[1], [0], [0], [1], [0, 0, 1, 1], [], []>, transpose_lhs_hint = false} : vector<256x256xf32>, vector<256x1024xf32>, vector<256x1024xf32> -> vector<256x1024xf32>
    %get3A_19 = arith.constant 0 : index
    %get3A_20 = arith.constant 0 : index
    %get3A_21 = vector.load %arg5[%get3A_19, %get3A_20] : memref<256x1xf32, #tpu.memory_space<vmem>>, vector<256x1xf32>
    %add3A_22 = vector.broadcast %get3A_21 : vector<256x1xf32> to vector<256x1024xf32>
    %add3A_23 = arith.addf %dot_general3A_18, %add3A_22 : vector<256x1024xf32>
    %max3A_24 = arith.constant 0.000000e+00 : f32
    %max3A_25 = vector.broadcast %max3A_24 : f32 to vector<256x1024xf32>
    %max3A_26 = arith.maximumf %add3A_23, %max3A_25 : vector<256x1024xf32>
    %get3A_27 = arith.constant 0 : index
    %get3A_28 = arith.constant 0 : index
    %get3A_29 = vector.load %arg6[%get3A_27, %get3A_28] : memref<256x256xf32, #tpu.memory_space<vmem>>, vector<256x256xf32>
    %dot_general3A_30 = arith.constant dense<0.000000e+00> : vector<256x1024xf32>
    %dot_general3A_31 = tpu.matmul %get3A_29, %max3A_26, %dot_general3A_30 {dimension_numbers = #tpu.dot_dimension_numbers<[1], [0], [0], [1], [0, 0, 1, 1], [], []>, transpose_lhs_hint = false} : vector<256x256xf32>, vector<256x1024xf32>, vector<256x1024xf32> -> vector<256x1024xf32>
    %get3A_32 = arith.constant 0 : index
    %get3A_33 = arith.constant 0 : index
    %get3A_34 = vector.load %arg7[%get3A_32, %get3A_33] : memref<256x1xf32, #tpu.memory_space<vmem>>, vector<256x1xf32>
    %add3A_35 = vector.broadcast %get3A_34 : vector<256x1xf32> to vector<256x1024xf32>
    %add3A_36 = arith.addf %dot_general3A_31, %add3A_35 : vector<256x1024xf32>
    %convert_element_type3A = arith.truncf %add3A_36 : vector<256x1024xf32> to vector<256x1024xbf16>
    %swap3A = arith.constant 0 : index
    %swap3A_37 = arith.constant 0 : index
    %swap3A_38 = arith.constant 0 : index
    %swap3A_39 = vector.load %arg8[%swap3A, %swap3A_37, %swap3A_38] : memref<8x256x1024xbf16, #tpu.memory_space<vmem>>, vector<1x256x1024xbf16>
    %swap3A_40 = vector.shape_cast %swap3A_39 : vector<1x256x1024xbf16> to vector<256x1024xbf16>
    %swap3A_41 = vector.shape_cast %convert_element_type3A : vector<256x1024xbf16> to vector<1x256x1024xbf16>
    tpu.vector_store %arg8[%swap3A, %swap3A_37, %swap3A_38], %swap3A_41 {strides = array<i32>} : memref<8x256x1024xbf16, #tpu.memory_space<vmem>>, vector<1x256x1024xbf16>,
    %get3A_42 = arith.constant 1 : index
    %get3A_43 = arith.constant 0 : index
    %get3A_44 = arith.constant 0 : index
    %get3A_45 = vector.load %arg1[%get3A_42, %get3A_43, %get3A_44] : memref<8x16x1024xf32, #tpu.memory_space<vmem>>, vector<1x16x1024xf32>
    %get3A_46 = vector.shape_cast %get3A_45 : vector<1x16x1024xf32> to vector<16x1024xf32>
    %get3A_47 = arith.constant 0 : index
    %get3A_48 = arith.constant 0 : index
    %get3A_49 = vector.load %arg2[%get3A_47, %get3A_48] : memref<256x16xf32, #tpu.memory_space<vmem>>, vector<256x16xf32>
    %dot_general3A_50 = arith.constant dense<0.000000e+00> : vector<256x1024xf32>
    %dot_general3A_51 = tpu.matmul %get3A_49, %get3A_46, %dot_general3A_50 {dimension_numbers = #tpu.dot_dimension_numbers<[1], [0], [0], [1], [0, 0, 1, 1], [], []>, transpose_lhs_hint = false} : vector<256x16xf32>, vector<16x1024xf32>, vector<256x1024xf32> -> vector<256x1024xf32>
    %get3A_52 = arith.constant 0 : index
    %get3A_53 = arith.constant 0 : index
    %get3A_54 = vector.load %arg3[%get3A_52, %get3A_53] : memref<256x1xf32, #tpu.memory_space<vmem>>, vector<256x1xf32>
    %add3A_55 = vector.broadcast %get3A_54 : vector<256x1xf32> to vector<256x1024xf32>
    %add3A_56 = arith.addf %dot_general3A_51, %add3A_55 : vector<256x1024xf32>
    %max3A_57 = arith.constant 0.000000e+00 : f32
    %max3A_58 = vector.broadcast %max3A_57 : f32 to vector<256x1024xf32>
    %max3A_59 = arith.maximumf %add3A_56, %max3A_58 : vector<256x1024xf32>
    %get3A_60 = arith.constant 0 : index
    %get3A_61 = arith.constant 0 : index
    %get3A_62 = vector.load %arg4[%get3A_60, %get3A_61] : memref<256x256xf32, #tpu.memory_space<vmem>>, vector<256x256xf32>
    %dot_general3A_63 = arith.constant dense<0.000000e+00> : vector<256x1024xf32>
    %dot_general3A_64 = tpu.matmul %get3A_62, %max3A_59, %dot_general3A_63 {dimension_numbers = #tpu.dot_dimension_numbers<[1], [0], [0], [1], [0, 0, 1, 1], [], []>, transpose_lhs_hint = false} : vector<256x256xf32>, vector<256x1024xf32>, vector<256x1024xf32> -> vector<256x1024xf32>
    %get3A_65 = arith.constant 0 : index
    %get3A_66 = arith.constant 0 : index
    %get3A_67 = vector.load %arg5[%get3A_65, %get3A_66] : memref<256x1xf32, #tpu.memory_space<vmem>>, vector<256x1xf32>
    %add3A_68 = vector.broadcast %get3A_67 : vector<256x1xf32> to vector<256x1024xf32>
    %add3A_69 = arith.addf %dot_general3A_64, %add3A_68 : vector<256x1024xf32>
    %max3A_70 = arith.constant 0.000000e+00 : f32
    %max3A_71 = vector.broadcast %max3A_70 : f32 to vector<256x1024xf32>
    %max3A_72 = arith.maximumf %add3A_69, %max3A_71 : vector<256x1024xf32>
    %get3A_73 = arith.constant 0 : index
    %get3A_74 = arith.constant 0 : index
    %get3A_75 = vector.load %arg6[%get3A_73, %get3A_74] : memref<256x256xf32, #tpu.memory_space<vmem>>, vector<256x256xf32>
    %dot_general3A_76 = arith.constant dense<0.000000e+00> : vector<256x1024xf32>
    %dot_general3A_77 = tpu.matmul %get3A_75, %max3A_72, %dot_general3A_76 {dimension_numbers = #tpu.dot_dimension_numbers<[1], [0], [0], [1], [0, 0, 1, 1], [], []>, transpose_lhs_hint = false} : vector<256x256xf32>, vector<256x1024xf32>, vector<256x1024xf32> -> vector<256x1024xf32>
    %get3A_78 = arith.constant 0 : index
    %get3A_79 = arith.constant 0 : index
    %get3A_80 = vector.load %arg7[%get3A_78, %get3A_79] : memref<256x1xf32, #tpu.memory_space<vmem>>, vector<256x1xf32>
    %add3A_81 = vector.broadcast %get3A_80 : vector<256x1xf32> to vector<256x1024xf32>
    %add3A_82 = arith.addf %dot_general3A_77, %add3A_81 : vector<256x1024xf32>
    %convert_element_type3A_83 = arith.truncf %add3A_82 : vector<256x1024xf32> to vector<256x1024xbf16>
    %swap3A_84 = arith.constant 1 : index
    %swap3A_85 = arith.constant 0 : index
    %swap3A_86 = arith.constant 0 : index
    %swap3A_87 = vector.load %arg8[%swap3A_84, %swap3A_85, %swap3A_86] : memref<8x256x1024xbf16, #tpu.memory_space<vmem>>, vector<1x256x1024xbf16>
    %swap3A_88 = vector.shape_cast %swap3A_87 : vector<1x256x1024xbf16> to vector<256x1024xbf16>
    %swap3A_89 = vector.shape_cast %convert_element_type3A_83 : vector<256x1024xbf16> to vector<1x256x1024xbf16>
    tpu.vector_store %arg8[%swap3A_84, %swap3A_85, %swap3A_86], %swap3A_89 {strides = array<i32>} : memref<8x256x1024xbf16, #tpu.memory_space<vmem>>, vector<1x256x1024xbf16>,
    %get3A_90 = arith.constant 2 : index
    %get3A_91 = arith.constant 0 : index
    %get3A_92 = arith.constant 0 : index
    %get3A_93 = vector.load %arg1[%get3A_90, %get3A_91, %get3A_92] : memref<8x16x1024xf32, #tpu.memory_space<vmem>>, vector<1x16x1024xf32>
    %get3A_94 = vector.shape_cast %get3A_93 : vector<1x16x1024xf32> to vector<16x1024xf32>
    %get3A_95 = arith.constant 0 : index
    %get3A_96 = arith.constant 0 : index
    %get3A_97 = vector.load %arg2[%get3A_95, %get3A_96] : memref<256x16xf32, #tpu.memory_space<vmem>>, vector<256x16xf32>
    %dot_general3A_98 = arith.constant dense<0.000000e+00> : vector<256x1024xf32>
    %dot_general3A_99 = tpu.matmul %get3A_97, %get3A_94, %dot_general3A_98 {dimension_numbers = #tpu.dot_dimension_numbers<[1], [0], [0], [1], [0, 0, 1, 1], [], []>, transpose_lhs_hint = false} : vector<256x16xf32>, vector<16x1024xf32>, vector<256x1024xf32> -> vector<256x1024xf32>
    %get3A_100 = arith.constant 0 : index
    %get3A_101 = arith.constant 0 : index
    %get3A_102 = vector.load %arg3[%get3A_100, %get3A_101] : memref<256x1xf32, #tpu.memory_space<vmem>>, vector<256x1xf32>
    %add3A_103 = vector.broadcast %get3A_102 : vector<256x1xf32> to vector<256x1024xf32>
    %add3A_104 = arith.addf %dot_general3A_99, %add3A_103 : vector<256x1024xf32>
    %max3A_105 = arith.constant 0.000000e+00 : f32
    %max3A_106 = vector.broadcast %max3A_105 : f32 to vector<256x1024xf32>
    %max3A_107 = arith.maximumf %add3A_104, %max3A_106 : vector<256x1024xf32>
    %get3A_108 = arith.constant 0 : index
    %get3A_109 = arith.constant 0 : index
    %get3A_110 = vector.load %arg4[%get3A_108, %get3A_109] : memref<256x256xf32, #tpu.memory_space<vmem>>, vector<256x256xf32>
    %dot_general3A_111 = arith.constant dense<0.000000e+00> : vector<256x1024xf32>
    %dot_general3A_112 = tpu.matmul %get3A_110, %max3A_107, %dot_general3A_111 {dimension_numbers = #tpu.dot_dimension_numbers<[1], [0], [0], [1], [0, 0, 1, 1], [], []>, transpose_lhs_hint = false} : vector<256x256xf32>, vector<256x1024xf32>, vector<256x1024xf32> -> vector<256x1024xf32>
    %get3A_113 = arith.constant 0 : index
    %get3A_114 = arith.constant 0 : index
    %get3A_115 = vector.load %arg5[%get3A_113, %get3A_114] : memref<256x1xf32, #tpu.memory_space<vmem>>, vector<256x1xf32>
    %add3A_116 = vector.broadcast %get3A_115 : vector<256x1xf32> to vector<256x1024xf32>
    %add3A_117 = arith.addf %dot_general3A_112, %add3A_116 : vector<256x1024xf32>
    %max3A_118 = arith.constant 0.000000e+00 : f32
    %max3A_119 = vector.broadcast %max3A_118 : f32 to vector<256x1024xf32>
    %max3A_120 = arith.maximumf %add3A_117, %max3A_119 : vector<256x1024xf32>
    %get3A_121 = arith.constant 0 : index
    %get3A_122 = arith.constant 0 : index
    %get3A_123 = vector.load %arg6[%get3A_121, %get3A_122] : memref<256x256xf32, #tpu.memory_space<vmem>>, vector<256x256xf32>
    %dot_general3A_124 = arith.constant dense<0.000000e+00> : vector<256x1024xf32>
    %dot_general3A_125 = tpu.matmul %get3A_123, %max3A_120, %dot_general3A_124 {dimension_numbers = #tpu.dot_dimension_numbers<[1], [0], [0], [1], [0, 0, 1, 1], [], []>, transpose_lhs_hint = false} : vector<256x256xf32>, vector<256x1024xf32>, vector<256x1024xf32> -> vector<256x1024xf32>
    %get3A_126 = arith.constant 0 : index
    %get3A_127 = arith.constant 0 : index
    %get3A_128 = vector.load %arg7[%get3A_126, %get3A_127] : memref<256x1xf32, #tpu.memory_space<vmem>>, vector<256x1xf32>
    %add3A_129 = vector.broadcast %get3A_128 : vector<256x1xf32> to vector<256x1024xf32>
    %add3A_130 = arith.addf %dot_general3A_125, %add3A_129 : vector<256x1024xf32>
    %convert_element_type3A_131 = arith.truncf %add3A_130 : vector<256x1024xf32> to vector<256x1024xbf16>
    %swap3A_132 = arith.constant 2 : index
    %swap3A_133 = arith.constant 0 : index
    %swap3A_134 = arith.constant 0 : index
    %swap3A_135 = vector.load %arg8[%swap3A_132, %swap3A_133, %swap3A_134] : memref<8x256x1024xbf16, #tpu.memory_space<vmem>>, vector<1x256x1024xbf16>
    %swap3A_136 = vector.shape_cast %swap3A_135 : vector<1x256x1024xbf16> to vector<256x1024xbf16>
    %swap3A_137 = vector.shape_cast %convert_element_type3A_131 : vector<256x1024xbf16> to vector<1x256x1024xbf16>
    tpu.vector_store %arg8[%swap3A_132, %swap3A_133, %swap3A_134], %swap3A_137 {strides = array<i32>} : memref<8x256x1024xbf16, #tpu.memory_space<vmem>>, vector<1x256x1024xbf16>,
    %get3A_138 = arith.constant 3 : index
    %get3A_139 = arith.constant 0 : index
    %get3A_140 = arith.constant 0 : index
    %get3A_141 = vector.load %arg1[%get3A_138, %get3A_139, %get3A_140] : memref<8x16x1024xf32, #tpu.memory_space<vmem>>, vector<1x16x1024xf32>
    %get3A_142 = vector.shape_cast %get3A_141 : vector<1x16x1024xf32> to vector<16x1024xf32>
    %get3A_143 = arith.constant 0 : index
    %get3A_144 = arith.constant 0 : index
    %get3A_145 = vector.load %arg2[%get3A_143, %get3A_144] : memref<256x16xf32, #tpu.memory_space<vmem>>, vector<256x16xf32>
    %dot_general3A_146 = arith.constant dense<0.000000e+00> : vector<256x1024xf32>
    %dot_general3A_147 = tpu.matmul %get3A_145, %get3A_142, %dot_general3A_146 {dimension_numbers = #tpu.dot_dimension_numbers<[1], [0], [0], [1], [0, 0, 1, 1], [], []>, transpose_lhs_hint = false} : vector<256x16xf32>, vector<16x1024xf32>, vector<256x1024xf32> -> vector<256x1024xf32>
    %get3A_148 = arith.constant 0 : index
    %get3A_149 = arith.constant 0 : index
    %get3A_150 = vector.load %arg3[%get3A_148, %get3A_149] : memref<256x1xf32, #tpu.memory_space<vmem>>, vector<256x1xf32>
    %add3A_151 = vector.broadcast %get3A_150 : vector<256x1xf32> to vector<256x1024xf32>
    %add3A_152 = arith.addf %dot_general3A_147, %add3A_151 : vector<256x1024xf32>
    %max3A_153 = arith.constant 0.000000e+00 : f32
    %max3A_154 = vector.broadcast %max3A_153 : f32 to vector<256x1024xf32>
    %max3A_155 = arith.maximumf %add3A_152, %max3A_154 : vector<256x1024xf32>
    %get3A_156 = arith.constant 0 : index
    %get3A_157 = arith.constant 0 : index
    %get3A_158 = vector.load %arg4[%get3A_156, %get3A_157] : memref<256x256xf32, #tpu.memory_space<vmem>>, vector<256x256xf32>
    %dot_general3A_159 = arith.constant dense<0.000000e+00> : vector<256x1024xf32>
    %dot_general3A_160 = tpu.matmul %get3A_158, %max3A_155, %dot_general3A_159 {dimension_numbers = #tpu.dot_dimension_numbers<[1], [0], [0], [1], [0, 0, 1, 1], [], []>, transpose_lhs_hint = false} : vector<256x256xf32>, vector<256x1024xf32>, vector<256x1024xf32> -> vector<256x1024xf32>
    %get3A_161 = arith.constant 0 : index
    %get3A_162 = arith.constant 0 : index
    %get3A_163 = vector.load %arg5[%get3A_161, %get3A_162] : memref<256x1xf32, #tpu.memory_space<vmem>>, vector<256x1xf32>
    %add3A_164 = vector.broadcast %get3A_163 : vector<256x1xf32> to vector<256x1024xf32>
    %add3A_165 = arith.addf %dot_general3A_160, %add3A_164 : vector<256x1024xf32>
    %max3A_166 = arith.constant 0.000000e+00 : f32
    %max3A_167 = vector.broadcast %max3A_166 : f32 to vector<256x1024xf32>
    %max3A_168 = arith.maximumf %add3A_165, %max3A_167 : vector<256x1024xf32>
    %get3A_169 = arith.constant 0 : index
    %get3A_170 = arith.constant 0 : index
    %get3A_171 = vector.load %arg6[%get3A_169, %get3A_170] : memref<256x256xf32, #tpu.memory_space<vmem>>, vector<256x256xf32>
    %dot_general3A_172 = arith.constant dense<0.000000e+00> : vector<256x1024xf32>
    %dot_general3A_173 = tpu.matmul %get3A_171, %max3A_168, %dot_general3A_172 {dimension_numbers = #tpu.dot_dimension_numbers<[1], [0], [0], [1], [0, 0, 1, 1], [], []>, transpose_lhs_hint = false} : vector<256x256xf32>, vector<256x1024xf32>, vector<256x1024xf32> -> vector<256x1024xf32>
    %get3A_174 = arith.constant 0 : index
    %get3A_175 = arith.constant 0 : index
    %get3A_176 = vector.load %arg7[%get3A_174, %get3A_175] : memref<256x1xf32, #tpu.memory_space<vmem>>, vector<256x1xf32>
    %add3A_177 = vector.broadcast %get3A_176 : vector<256x1xf32> to vector<256x1024xf32>
    %add3A_178 = arith.addf %dot_general3A_173, %add3A_177 : vector<256x1024xf32>
    %convert_element_type3A_179 = arith.truncf %add3A_178 : vector<256x1024xf32> to vector<256x1024xbf16>
    %swap3A_180 = arith.constant 3 : index
    %swap3A_181 = arith.constant 0 : index
    %swap3A_182 = arith.constant 0 : index
    %swap3A_183 = vector.load %arg8[%swap3A_180, %swap3A_181, %swap3A_182] : memref<8x256x1024xbf16, #tpu.memory_space<vmem>>, vector<1x256x1024xbf16>
    %swap3A_184 = vector.shape_cast %swap3A_183 : vector<1x256x1024xbf16> to vector<256x1024xbf16>
    %swap3A_185 = vector.shape_cast %convert_element_type3A_179 : vector<256x1024xbf16> to vector<1x256x1024xbf16>
    tpu.vector_store %arg8[%swap3A_180, %swap3A_181, %swap3A_182], %swap3A_185 {strides = array<i32>} : memref<8x256x1024xbf16, #tpu.memory_space<vmem>>, vector<1x256x1024xbf16>,
    %get3A_186 = arith.constant 4 : index
    %get3A_187 = arith.constant 0 : index
    %get3A_188 = arith.constant 0 : index
    %get3A_189 = vector.load %arg1[%get3A_186, %get3A_187, %get3A_188] : memref<8x16x1024xf32, #tpu.memory_space<vmem>>, vector<1x16x1024xf32>
    %get3A_190 = vector.shape_cast %get3A_189 : vector<1x16x1024xf32> to vector<16x1024xf32>
    %get3A_191 = arith.constant 0 : index
    %get3A_192 = arith.constant 0 : index
    %get3A_193 = vector.load %arg2[%get3A_191, %get3A_192] : memref<256x16xf32, #tpu.memory_space<vmem>>, vector<256x16xf32>
    %dot_general3A_194 = arith.constant dense<0.000000e+00> : vector<256x1024xf32>
    %dot_general3A_195 = tpu.matmul %get3A_193, %get3A_190, %dot_general3A_194 {dimension_numbers = #tpu.dot_dimension_numbers<[1], [0], [0], [1], [0, 0, 1, 1], [], []>, transpose_lhs_hint = false} : vector<256x16xf32>, vector<16x1024xf32>, vector<256x1024xf32> -> vector<256x1024xf32>
    %get3A_196 = arith.constant 0 : index
    %get3A_197 = arith.constant 0 : index
    %get3A_198 = vector.load %arg3[%get3A_196, %get3A_197] : memref<256x1xf32, #tpu.memory_space<vmem>>, vector<256x1xf32>
    %add3A_199 = vector.broadcast %get3A_198 : vector<256x1xf32> to vector<256x1024xf32>
    %add3A_200 = arith.addf %dot_general3A_195, %add3A_199 : vector<256x1024xf32>
    %max3A_201 = arith.constant 0.000000e+00 : f32
    %max3A_202 = vector.broadcast %max3A_201 : f32 to vector<256x1024xf32>
    %max3A_203 = arith.maximumf %add3A_200, %max3A_202 : vector<256x1024xf32>
    %get3A_204 = arith.constant 0 : index
    %get3A_205 = arith.constant 0 : index
    %get3A_206 = vector.load %arg4[%get3A_204, %get3A_205] : memref<256x256xf32, #tpu.memory_space<vmem>>, vector<256x256xf32>
    %dot_general3A_207 = arith.constant dense<0.000000e+00> : vector<256x1024xf32>
    %dot_general3A_208 = tpu.matmul %get3A_206, %max3A_203, %dot_general3A_207 {dimension_numbers = #tpu.dot_dimension_numbers<[1], [0], [0], [1], [0, 0, 1, 1], [], []>, transpose_lhs_hint = false} : vector<256x256xf32>, vector<256x1024xf32>, vector<256x1024xf32> -> vector<256x1024xf32>
    %get3A_209 = arith.constant 0 : index
    %get3A_210 = arith.constant 0 : index
    %get3A_211 = vector.load %arg5[%get3A_209, %get3A_210] : memref<256x1xf32, #tpu.memory_space<vmem>>, vector<256x1xf32>
    %add3A_212 = vector.broadcast %get3A_211 : vector<256x1xf32> to vector<256x1024xf32>
    %add3A_213 = arith.addf %dot_general3A_208, %add3A_212 : vector<256x1024xf32>
    %max3A_214 = arith.constant 0.000000e+00 : f32
    %max3A_215 = vector.broadcast %max3A_214 : f32 to vector<256x1024xf32>
    %max3A_216 = arith.maximumf %add3A_213, %max3A_215 : vector<256x1024xf32>
    %get3A_217 = arith.constant 0 : index
    %get3A_218 = arith.constant 0 : index
    %get3A_219 = vector.load %arg6[%get3A_217, %get3A_218] : memref<256x256xf32, #tpu.memory_space<vmem>>, vector<256x256xf32>
    %dot_general3A_220 = arith.constant dense<0.000000e+00> : vector<256x1024xf32>
    %dot_general3A_221 = tpu.matmul %get3A_219, %max3A_216, %dot_general3A_220 {dimension_numbers = #tpu.dot_dimension_numbers<[1], [0], [0], [1], [0, 0, 1, 1], [], []>, transpose_lhs_hint = false} : vector<256x256xf32>, vector<256x1024xf32>, vector<256x1024xf32> -> vector<256x1024xf32>
    %get3A_222 = arith.constant 0 : index
    %get3A_223 = arith.constant 0 : index
    %get3A_224 = vector.load %arg7[%get3A_222, %get3A_223] : memref<256x1xf32, #tpu.memory_space<vmem>>, vector<256x1xf32>
    %add3A_225 = vector.broadcast %get3A_224 : vector<256x1xf32> to vector<256x1024xf32>
    %add3A_226 = arith.addf %dot_general3A_221, %add3A_225 : vector<256x1024xf32>
    %convert_element_type3A_227 = arith.truncf %add3A_226 : vector<256x1024xf32> to vector<256x1024xbf16>
    %swap3A_228 = arith.constant 4 : index
    %swap3A_229 = arith.constant 0 : index
    %swap3A_230 = arith.constant 0 : index
    %swap3A_231 = vector.load %arg8[%swap3A_228, %swap3A_229, %swap3A_230] : memref<8x256x1024xbf16, #tpu.memory_space<vmem>>, vector<1x256x1024xbf16>
    %swap3A_232 = vector.shape_cast %swap3A_231 : vector<1x256x1024xbf16> to vector<256x1024xbf16>
    %swap3A_233 = vector.shape_cast %convert_element_type3A_227 : vector<256x1024xbf16> to vector<1x256x1024xbf16>
    tpu.vector_store %arg8[%swap3A_228, %swap3A_229, %swap3A_230], %swap3A_233 {strides = array<i32>} : memref<8x256x1024xbf16, #tpu.memory_space<vmem>>, vector<1x256x1024xbf16>,
    %get3A_234 = arith.constant 5 : index
    %get3A_235 = arith.constant 0 : index
    %get3A_236 = arith.constant 0 : index
    %get3A_237 = vector.load %arg1[%get3A_234, %get3A_235, %get3A_236] : memref<8x16x1024xf32, #tpu.memory_space<vmem>>, vector<1x16x1024xf32>
    %get3A_238 = vector.shape_cast %get3A_237 : vector<1x16x1024xf32> to vector<16x1024xf32>
    %get3A_239 = arith.constant 0 : index
    %get3A_240 = arith.constant 0 : index
    %get3A_241 = vector.load %arg2[%get3A_239, %get3A_240] : memref<256x16xf32, #tpu.memory_space<vmem>>, vector<256x16xf32>
    %dot_general3A_242 = arith.constant dense<0.000000e+00> : vector<256x1024xf32>
    %dot_general3A_243 = tpu.matmul %get3A_241, %get3A_238, %dot_general3A_242 {dimension_numbers = #tpu.dot_dimension_numbers<[1], [0], [0], [1], [0, 0, 1, 1], [], []>, transpose_lhs_hint = false} : vector<256x16xf32>, vector<16x1024xf32>, vector<256x1024xf32> -> vector<256x1024xf32>
    %get3A_244 = arith.constant 0 : index
    %get3A_245 = arith.constant 0 : index
    %get3A_246 = vector.load %arg3[%get3A_244, %get3A_245] : memref<256x1xf32, #tpu.memory_space<vmem>>, vector<256x1xf32>
    %add3A_247 = vector.broadcast %get3A_246 : vector<256x1xf32> to vector<256x1024xf32>
    %add3A_248 = arith.addf %dot_general3A_243, %add3A_247 : vector<256x1024xf32>
    %max3A_249 = arith.constant 0.000000e+00 : f32
    %max3A_250 = vector.broadcast %max3A_249 : f32 to vector<256x1024xf32>
    %max3A_251 = arith.maximumf %add3A_248, %max3A_250 : vector<256x1024xf32>
    %get3A_252 = arith.constant 0 : index
    %get3A_253 = arith.constant 0 : index
    %get3A_254 = vector.load %arg4[%get3A_252, %get3A_253] : memref<256x256xf32, #tpu.memory_space<vmem>>, vector<256x256xf32>
    %dot_general3A_255 = arith.constant dense<0.000000e+00> : vector<256x1024xf32>
    %dot_general3A_256 = tpu.matmul %get3A_254, %max3A_251, %dot_general3A_255 {dimension_numbers = #tpu.dot_dimension_numbers<[1], [0], [0], [1], [0, 0, 1, 1], [], []>, transpose_lhs_hint = false} : vector<256x256xf32>, vector<256x1024xf32>, vector<256x1024xf32> -> vector<256x1024xf32>
    %get3A_257 = arith.constant 0 : index
    %get3A_258 = arith.constant 0 : index
    %get3A_259 = vector.load %arg5[%get3A_257, %get3A_258] : memref<256x1xf32, #tpu.memory_space<vmem>>, vector<256x1xf32>
    %add3A_260 = vector.broadcast %get3A_259 : vector<256x1xf32> to vector<256x1024xf32>
    %add3A_261 = arith.addf %dot_general3A_256, %add3A_260 : vector<256x1024xf32>
    %max3A_262 = arith.constant 0.000000e+00 : f32
    %max3A_263 = vector.broadcast %max3A_262 : f32 to vector<256x1024xf32>
    %max3A_264 = arith.maximumf %add3A_261, %max3A_263 : vector<256x1024xf32>
    %get3A_265 = arith.constant 0 : index
    %get3A_266 = arith.constant 0 : index
    %get3A_267 = vector.load %arg6[%get3A_265, %get3A_266] : memref<256x256xf32, #tpu.memory_space<vmem>>, vector<256x256xf32>
    %dot_general3A_268 = arith.constant dense<0.000000e+00> : vector<256x1024xf32>
    %dot_general3A_269 = tpu.matmul %get3A_267, %max3A_264, %dot_general3A_268 {dimension_numbers = #tpu.dot_dimension_numbers<[1], [0], [0], [1], [0, 0, 1, 1], [], []>, transpose_lhs_hint = false} : vector<256x256xf32>, vector<256x1024xf32>, vector<256x1024xf32> -> vector<256x1024xf32>
    %get3A_270 = arith.constant 0 : index
    %get3A_271 = arith.constant 0 : index
    %get3A_272 = vector.load %arg7[%get3A_270, %get3A_271] : memref<256x1xf32, #tpu.memory_space<vmem>>, vector<256x1xf32>
    %add3A_273 = vector.broadcast %get3A_272 : vector<256x1xf32> to vector<256x1024xf32>
    %add3A_274 = arith.addf %dot_general3A_269, %add3A_273 : vector<256x1024xf32>
    %convert_element_type3A_275 = arith.truncf %add3A_274 : vector<256x1024xf32> to vector<256x1024xbf16>
    %swap3A_276 = arith.constant 5 : index
    %swap3A_277 = arith.constant 0 : index
    %swap3A_278 = arith.constant 0 : index
    %swap3A_279 = vector.load %arg8[%swap3A_276, %swap3A_277, %swap3A_278] : memref<8x256x1024xbf16, #tpu.memory_space<vmem>>, vector<1x256x1024xbf16>
    %swap3A_280 = vector.shape_cast %swap3A_279 : vector<1x256x1024xbf16> to vector<256x1024xbf16>
    %swap3A_281 = vector.shape_cast %convert_element_type3A_275 : vector<256x1024xbf16> to vector<1x256x1024xbf16>
    tpu.vector_store %arg8[%swap3A_276, %swap3A_277, %swap3A_278], %swap3A_281 {strides = array<i32>} : memref<8x256x1024xbf16, #tpu.memory_space<vmem>>, vector<1x256x1024xbf16>,
    %get3A_282 = arith.constant 6 : index
    %get3A_283 = arith.constant 0 : index
    %get3A_284 = arith.constant 0 : index
    %get3A_285 = vector.load %arg1[%get3A_282, %get3A_283, %get3A_284] : memref<8x16x1024xf32, #tpu.memory_space<vmem>>, vector<1x16x1024xf32>
    %get3A_286 = vector.shape_cast %get3A_285 : vector<1x16x1024xf32> to vector<16x1024xf32>
    %get3A_287 = arith.constant 0 : index
    %get3A_288 = arith.constant 0 : index
    %get3A_289 = vector.load %arg2[%get3A_287, %get3A_288] : memref<256x16xf32, #tpu.memory_space<vmem>>, vector<256x16xf32>
    %dot_general3A_290 = arith.constant dense<0.000000e+00> : vector<256x1024xf32>
    %dot_general3A_291 = tpu.matmul %get3A_289, %get3A_286, %dot_general3A_290 {dimension_numbers = #tpu.dot_dimension_numbers<[1], [0], [0], [1], [0, 0, 1, 1], [], []>, transpose_lhs_hint = false} : vector<256x16xf32>, vector<16x1024xf32>, vector<256x1024xf32> -> vector<256x1024xf32>
    %get3A_292 = arith.constant 0 : index
    %get3A_293 = arith.constant 0 : index
    %get3A_294 = vector.load %arg3[%get3A_292, %get3A_293] : memref<256x1xf32, #tpu.memory_space<vmem>>, vector<256x1xf32>
    %add3A_295 = vector.broadcast %get3A_294 : vector<256x1xf32> to vector<256x1024xf32>
    %add3A_296 = arith.addf %dot_general3A_291, %add3A_295 : vector<256x1024xf32>
    %max3A_297 = arith.constant 0.000000e+00 : f32
    %max3A_298 = vector.broadcast %max3A_297 : f32 to vector<256x1024xf32>
    %max3A_299 = arith.maximumf %add3A_296, %max3A_298 : vector<256x1024xf32>
    %get3A_300 = arith.constant 0 : index
    %get3A_301 = arith.constant 0 : index
    %get3A_302 = vector.load %arg4[%get3A_300, %get3A_301] : memref<256x256xf32, #tpu.memory_space<vmem>>, vector<256x256xf32>
    %dot_general3A_303 = arith.constant dense<0.000000e+00> : vector<256x1024xf32>
    %dot_general3A_304 = tpu.matmul %get3A_302, %max3A_299, %dot_general3A_303 {dimension_numbers = #tpu.dot_dimension_numbers<[1], [0], [0], [1], [0, 0, 1, 1], [], []>, transpose_lhs_hint = false} : vector<256x256xf32>, vector<256x1024xf32>, vector<256x1024xf32> -> vector<256x1024xf32>
    %get3A_305 = arith.constant 0 : index
    %get3A_306 = arith.constant 0 : index
    %get3A_307 = vector.load %arg5[%get3A_305, %get3A_306] : memref<256x1xf32, #tpu.memory_space<vmem>>, vector<256x1xf32>
    %add3A_308 = vector.broadcast %get3A_307 : vector<256x1xf32> to vector<256x1024xf32>
    %add3A_309 = arith.addf %dot_general3A_304, %add3A_308 : vector<256x1024xf32>
    %max3A_310 = arith.constant 0.000000e+00 : f32
    %max3A_311 = vector.broadcast %max3A_310 : f32 to vector<256x1024xf32>
    %max3A_312 = arith.maximumf %add3A_309, %max3A_311 : vector<256x1024xf32>
    %get3A_313 = arith.constant 0 : index
    %get3A_314 = arith.constant 0 : index
    %get3A_315 = vector.load %arg6[%get3A_313, %get3A_314] : memref<256x256xf32, #tpu.memory_space<vmem>>, vector<256x256xf32>
    %dot_general3A_316 = arith.constant dense<0.000000e+00> : vector<256x1024xf32>
    %dot_general3A_317 = tpu.matmul %get3A_315, %max3A_312, %dot_general3A_316 {dimension_numbers = #tpu.dot_dimension_numbers<[1], [0], [0], [1], [0, 0, 1, 1], [], []>, transpose_lhs_hint = false} : vector<256x256xf32>, vector<256x1024xf32>, vector<256x1024xf32> -> vector<256x1024xf32>
    %get3A_318 = arith.constant 0 : index
    %get3A_319 = arith.constant 0 : index
    %get3A_320 = vector.load %arg7[%get3A_318, %get3A_319] : memref<256x1xf32, #tpu.memory_space<vmem>>, vector<256x1xf32>
    %add3A_321 = vector.broadcast %get3A_320 : vector<256x1xf32> to vector<256x1024xf32>
    %add3A_322 = arith.addf %dot_general3A_317, %add3A_321 : vector<256x1024xf32>
    %convert_element_type3A_323 = arith.truncf %add3A_322 : vector<256x1024xf32> to vector<256x1024xbf16>
    %swap3A_324 = arith.constant 6 : index
    %swap3A_325 = arith.constant 0 : index
    %swap3A_326 = arith.constant 0 : index
    %swap3A_327 = vector.load %arg8[%swap3A_324, %swap3A_325, %swap3A_326] : memref<8x256x1024xbf16, #tpu.memory_space<vmem>>, vector<1x256x1024xbf16>
    %swap3A_328 = vector.shape_cast %swap3A_327 : vector<1x256x1024xbf16> to vector<256x1024xbf16>
    %swap3A_329 = vector.shape_cast %convert_element_type3A_323 : vector<256x1024xbf16> to vector<1x256x1024xbf16>
    tpu.vector_store %arg8[%swap3A_324, %swap3A_325, %swap3A_326], %swap3A_329 {strides = array<i32>} : memref<8x256x1024xbf16, #tpu.memory_space<vmem>>, vector<1x256x1024xbf16>,
    %get3A_330 = arith.constant 7 : index
    %get3A_331 = arith.constant 0 : index
    %get3A_332 = arith.constant 0 : index
    %get3A_333 = vector.load %arg1[%get3A_330, %get3A_331, %get3A_332] : memref<8x16x1024xf32, #tpu.memory_space<vmem>>, vector<1x16x1024xf32>
    %get3A_334 = vector.shape_cast %get3A_333 : vector<1x16x1024xf32> to vector<16x1024xf32>
    %get3A_335 = arith.constant 0 : index
    %get3A_336 = arith.constant 0 : index
    %get3A_337 = vector.load %arg2[%get3A_335, %get3A_336] : memref<256x16xf32, #tpu.memory_space<vmem>>, vector<256x16xf32>
    %dot_general3A_338 = arith.constant dense<0.000000e+00> : vector<256x1024xf32>
    %dot_general3A_339 = tpu.matmul %get3A_337, %get3A_334, %dot_general3A_338 {dimension_numbers = #tpu.dot_dimension_numbers<[1], [0], [0], [1], [0, 0, 1, 1], [], []>, transpose_lhs_hint = false} : vector<256x16xf32>, vector<16x1024xf32>, vector<256x1024xf32> -> vector<256x1024xf32>
    %get3A_340 = arith.constant 0 : index
    %get3A_341 = arith.constant 0 : index
    %get3A_342 = vector.load %arg3[%get3A_340, %get3A_341] : memref<256x1xf32, #tpu.memory_space<vmem>>, vector<256x1xf32>
    %add3A_343 = vector.broadcast %get3A_342 : vector<256x1xf32> to vector<256x1024xf32>
    %add3A_344 = arith.addf %dot_general3A_339, %add3A_343 : vector<256x1024xf32>
    %max3A_345 = arith.constant 0.000000e+00 : f32
    %max3A_346 = vector.broadcast %max3A_345 : f32 to vector<256x1024xf32>
    %max3A_347 = arith.maximumf %add3A_344, %max3A_346 : vector<256x1024xf32>
    %get3A_348 = arith.constant 0 : index
    %get3A_349 = arith.constant 0 : index
    %get3A_350 = vector.load %arg4[%get3A_348, %get3A_349] : memref<256x256xf32, #tpu.memory_space<vmem>>, vector<256x256xf32>
    %dot_general3A_351 = arith.constant dense<0.000000e+00> : vector<256x1024xf32>
    %dot_general3A_352 = tpu.matmul %get3A_350, %max3A_347, %dot_general3A_351 {dimension_numbers = #tpu.dot_dimension_numbers<[1], [0], [0], [1], [0, 0, 1, 1], [], []>, transpose_lhs_hint = false} : vector<256x256xf32>, vector<256x1024xf32>, vector<256x1024xf32> -> vector<256x1024xf32>
    %get3A_353 = arith.constant 0 : index
    %get3A_354 = arith.constant 0 : index
    %get3A_355 = vector.load %arg5[%get3A_353, %get3A_354] : memref<256x1xf32, #tpu.memory_space<vmem>>, vector<256x1xf32>
    %add3A_356 = vector.broadcast %get3A_355 : vector<256x1xf32> to vector<256x1024xf32>
    %add3A_357 = arith.addf %dot_general3A_352, %add3A_356 : vector<256x1024xf32>
    %max3A_358 = arith.constant 0.000000e+00 : f32
    %max3A_359 = vector.broadcast %max3A_358 : f32 to vector<256x1024xf32>
    %max3A_360 = arith.maximumf %add3A_357, %max3A_359 : vector<256x1024xf32>
    %get3A_361 = arith.constant 0 : index
    %get3A_362 = arith.constant 0 : index
    %get3A_363 = vector.load %arg6[%get3A_361, %get3A_362] : memref<256x256xf32, #tpu.memory_space<vmem>>, vector<256x256xf32>
    %dot_general3A_364 = arith.constant dense<0.000000e+00> : vector<256x1024xf32>
    %dot_general3A_365 = tpu.matmul %get3A_363, %max3A_360, %dot_general3A_364 {dimension_numbers = #tpu.dot_dimension_numbers<[1], [0], [0], [1], [0, 0, 1, 1], [], []>, transpose_lhs_hint = false} : vector<256x256xf32>, vector<256x1024xf32>, vector<256x1024xf32> -> vector<256x1024xf32>
    %get3A_366 = arith.constant 0 : index
    %get3A_367 = arith.constant 0 : index
    %get3A_368 = vector.load %arg7[%get3A_366, %get3A_367] : memref<256x1xf32, #tpu.memory_space<vmem>>, vector<256x1xf32>
    %add3A_369 = vector.broadcast %get3A_368 : vector<256x1xf32> to vector<256x1024xf32>
    %add3A_370 = arith.addf %dot_general3A_365, %add3A_369 : vector<256x1024xf32>
    %convert_element_type3A_371 = arith.truncf %add3A_370 : vector<256x1024xf32> to vector<256x1024xbf16>
    %swap3A_372 = arith.constant 7 : index
    %swap3A_373 = arith.constant 0 : index
    %swap3A_374 = arith.constant 0 : index
    %swap3A_375 = vector.load %arg8[%swap3A_372, %swap3A_373, %swap3A_374] : memref<8x256x1024xbf16, #tpu.memory_space<vmem>>, vector<1x256x1024xbf16>
    %swap3A_376 = vector.shape_cast %swap3A_375 : vector<1x256x1024xbf16> to vector<256x1024xbf16>
    %swap3A_377 = vector.shape_cast %convert_element_type3A_371 : vector<256x1024xbf16> to vector<1x256x1024xbf16>
    tpu.vector_store %arg8[%swap3A_372, %swap3A_373, %swap3A_374], %swap3A_377 {strides = array<i32>} : memref<8x256x1024xbf16, #tpu.memory_space<vmem>>, vector<1x256x1024xbf16>,
    return
  }
  func.func @transform_0(%arg0: i32) -> (i32, i32, i32) {
    %c0_i32 = arith.constant 0 : i32
    %c0_i32_0 = arith.constant 0 : i32
    %c0_i32_1 = arith.constant 0 : i32
    return %arg0, %c0_i32, %c0_i32_0 : i32, i32, i32
  }
  func.func @transform_1(%arg0: i32) -> (i32, i32) {
    %c0_i32 = arith.constant 0 : i32
    %c0_i32_0 = arith.constant 0 : i32
    %c0_i32_1 = arith.constant 0 : i32
    return %c0_i32, %c0_i32_0 : i32, i32
  }
  func.func @transform_2(%arg0: i32) -> (i32, i32) {
    %c0_i32 = arith.constant 0 : i32
    %c0_i32_0 = arith.constant 0 : i32
    %c0_i32_1 = arith.constant 0 : i32
    return %c0_i32, %c0_i32_0 : i32, i32
  }
  func.func @transform_3(%arg0: i32) -> (i32, i32) {
    %c0_i32 = arith.constant 0 : i32
    %c0_i32_0 = arith.constant 0 : i32
    %c0_i32_1 = arith.constant 0 : i32
    return %c0_i32, %c0_i32_0 : i32, i32
  }
  func.func @transform_4(%arg0: i32) -> (i32, i32) {
    %c0_i32 = arith.constant 0 : i32
    %c0_i32_0 = arith.constant 0 : i32
    %c0_i32_1 = arith.constant 0 : i32
    return %c0_i32, %c0_i32_0 : i32, i32
  }
  func.func @transform_5(%arg0: i32) -> (i32, i32) {
    %c0_i32 = arith.constant 0 : i32
    %c0_i32_0 = arith.constant 0 : i32
    %c0_i32_1 = arith.constant 0 : i32
    return %c0_i32, %c0_i32_0 : i32, i32
  }
  func.func @transform_6(%arg0: i32) -> (i32, i32) {
    %c0_i32 = arith.constant 0 : i32
    %c0_i32_0 = arith.constant 0 : i32
    %c0_i32_1 = arith.constant 0 : i32
    return %c0_i32, %c0_i32_0 : i32, i32
  }
  func.func @transform_7(%arg0: i32) -> (i32, i32, i32) {
    %c0_i32 = arith.constant 0 : i32
    %c0_i32_0 = arith.constant 0 : i32
    %c0_i32_1 = arith.constant 0 : i32
    return %arg0, %c0_i32, %c0_i32_0 : i32, i32, i32
  }
}

</mosaic_0001>

<sc_bundles>
// kernel: kernel.5.cloned.1.call-start
scs
__scs_entry_jumppad:
0x0: {  	(pc) =	sbr.rel $0x88, $3  }
0x1: {  	(tag) =	ssettag $0x0;
	lr =	simm.s32 $0x1  }
0x2: {  	[smem:$0x3F95] =	sst lr;
	_ =	strace $0xD0000000  }
0x3: {  	_ = 	snop  }
0x4: {  	_ = 	snop  }
0x5: {  	_ = 	snop  }
0x6: {  	_ = 	snop  }
0x7: {  	_ = 	snop  }
__scs_overlays_trampoline_lowered:
0x8: {  	[smem:$0x3FA4] =	sst s0  }
0x9: {  	[smem:$0x3FA5] =	sst s1  }
0xa: {  	[smem:$0x3FA6] =	sst s2  }
0xb: {  	[smem:$0x3FA7] =	sst s3  }
0xc: {  	[smem:$0x3FA8] =	sst s4  }
0xd: {  	[smem:$0x3FA9] =	sst s5  }
0xe: {  	[smem:$0x3FAA] =	sst s6  }
0xf: {  	[smem:$0x3FAB] =	sst s7  }
0x10: {  	[smem:$0x3FAC] =	sst s8  }
0x11: {  	[smem:$0x3FAD] =	sst s9;
	s0 =	simm.s32 @!p0 $0x0  }
0x12: {  	s1 =	sld [smem:$0x3F93];
	s0 =	simm.s32 @p0 $0x1  }
0x13: {  	[smem:$0x3FAE] =	sst s0;
	s0 =	simm.s32 @!p1 $0x0  }
0x14: {  	s2 =	sld [smem:$0x3F92];
	s0 =	simm.s32 @p1 $0x1  }
0x15: {  	[smem:$0x3FAF] =	sst s0;
	s0 =	simm.s32 @!p2 $0x0  }
0x16: {  	s3 =	sld [smem:$0x3FDB];
	s0 =	simm.s32 @p2 $0x1  }
0x17: {  	s4 =	simm.s32 $0x1BF5;
	[smem:$0x3FB1] =	sst s0  }
0x18: {  	s0 =	sld [smem:$0x3F94];
	_ =	swait.ge [sflag:s4], $0x0  }
0x19: {  	s7 =	sld [smem:$0x3F95]  }
0x1a: {  	s8 =	sadd.s32 $0xFFFFE003, lr  }
0x1b: {  	s9 =	sadd.s32 $0xFFFFFEF7, lr;
	s5 =	simm.s32 $0xFFFFFFFF;
	p2 =	slt.u32 s8, $0xFFFFF086  }
0x1c: {  	p1 =	slt.u32 s9, $0xF7A;
	s5 =	simm.s32 @!p2 $0x0  }
0x1d: {  	s5 =	simm.s32 @p1 $0x1;
	p0 =	seq.s32 s7, s2  }
0x1e: {  	s7 =	smul.u32 @!p0 $0xF7A, s2;
	p2 =	seq.s32 @!p0 s5, $0x0  }
0x1f: {  	s9 =	smul.u32 $0xF7A, s1;
	s8 =	simm.s32 @!p0 $0x1BF5;
	p2 =	por !p2, p0  }
0x20: {  	[sflag:s8] =	ssyncset.s32 @!p0 $0xFFFFF086;
	s6 =	sadd.s32 @!p0 s3, s7;
	s7 =	simm.s32 @!p0 $0x108  }
0x21: {  	s3 =	sadd.s32 s3, s9;
	s6 =	sadd.s32 @!p0 $0x88, s6;
	s7 =	simm.s32 @p2 $0x1082  }
0x22: {  	[simem:s7], [sflag:s8] =	dma.local @!p0 [hbm:s6], $0xF7A  }
0x23: {  	s9 =	sor.u32 $0xD0000000, s2;
	s6 =	simm.s32 $0x108;
	_ =	swait.ge @!p0 [sflag:s8], $0x0  }
0x24: {  	s3 =	sadd.s32 $0x88, s3;
	s6 =	simm.s32 @!p1 $0x1082;
	[sflag:s4] =	ssyncset.s32 $0xFFFFF086  }
0x25: {  	[simem:s6], [sflag:s4] =	dma.local [hbm:s3], $0xF7A  }
0x26: {  	[smem:$0x3F95] =	sst s1;
	(tag) =	ssettag s2;
	_ =	strace s9  }
0x27: {  	s1 =	sld [smem:$0x3FA5]  }
0x28: {  	s2 =	sld [smem:$0x3FA6]  }
0x29: {  	s4 =	sld [smem:$0x3FA8]  }
0x2a: {  	p0 =	seq.s32 s5, $0x0;
	s5 =	sld [smem:$0x3FA9]  }
0x2b: {  	s6 =	sld [smem:$0x3FAA]  }
0x2c: {  	s7 =	sld [smem:$0x3FAB]  }
0x2d: {  	s3 =	simm.s32 $0x108;
	s8 =	sld [smem:$0x3FAC]  }
0x2e: {  	s3 =	simm.s32 @!p0 $0x1082;
	s9 =	sld [smem:$0x3FAD]  }
0x2f: {  	lr =	sadd.s32 s0, s3;
	s0 =	sld [smem:$0x3FA4]  }
0x30: {  	s3 =	sld [smem:$0x3FA7]  }
0x31: {  	[smem:$0x3FB0] =	sst s10  }
0x32: {  	s10 =	sld [smem:$0x3FAE];
	_ =	sdelay $0x3  }
0x33: {  	p0 =	seq.s32 s10, $0x1;
	s10 =	sld [smem:$0x3FB0];
	_ =	sdelay $0x3  }
0x34: {  	[smem:$0x3FB0] =	sst s10  }
0x35: {  	s10 =	sld [smem:$0x3FAF];
	_ =	sdelay $0x3  }
0x36: {  	p1 =	seq.s32 s10, $0x1;
	s10 =	sld [smem:$0x3FB0];
	_ =	sdelay $0x3  }
0x37: {  	[smem:$0x3FB0] =	sst s10  }
0x38: {  	s10 =	sld [smem:$0x3FB1]  }
0x39: {  	_ = 	snop;
	(pc) =	sbr.ind lr, $3  }
0x3a: {  	_ = 	snop  }
0x3b: {  	_ = 	snop  }
0x3c: {  	p2 =	seq.s32 s10, $0x1;
	s10 =	sld [smem:$0x3FB0]  }
0x3d: {  	_ =	shalt  }
0x3e: {  	_ =	shalt  }
0x3f: {  	_ =	shalt  }
0x40: {  	_ =	shalt  }
0x41: {  	_ =	shalt  }
0x42: {  	_ =	shalt  }
0x43: {  	_ =	shalt  }
0x44: {  	_ =	shalt  }
0x45: {  	_ =	shalt  }
0x46: {  	_ =	shalt  }
0x47: {  	_ =	shalt  }
0x48: {  	_ =	shalt  }
0x49: {  	_ =	shalt  }
0x4a: {  	_ =	shalt  }
0x4b: {  	_ =	shalt  }
0x4c: {  	_ =	shalt  }
0x4d: {  	_ =	shalt  }
0x4e: {  	_ =	shalt  }
0x4f: {  	_ =	shalt  }
0x50: {  	_ =	shalt  }
0x51: {  	_ =	shalt  }
0x52: {  	_ =	shalt  }
0x53: {  	_ =	shalt  }
0x54: {  	_ =	shalt  }
0x55: {  	_ =	shalt  }
0x56: {  	_ =	shalt  }
0x57: {  	_ =	shalt  }
0x58: {  	_ =	shalt  }
0x59: {  	_ =	shalt  }
0x5a: {  	_ =	shalt  }
0x5b: {  	_ =	shalt  }
0x5c: {  	_ =	shalt  }
0x5d: {  	_ =	shalt  }
0x5e: {  	_ =	shalt  }
0x5f: {  	_ =	shalt  }
0x60: {  	_ =	shalt  }
0x61: {  	_ =	shalt  }
0x62: {  	_ =	shalt  }
0x63: {  	_ =	shalt  }
0x64: {  	_ =	shalt  }
0x65: {  	_ =	shalt  }
0x66: {  	_ =	shalt  }
0x67: {  	_ =	shalt  }
0x68: {  	_ =	shalt  }
0x69: {  	_ =	shalt  }
0x6a: {  	_ =	shalt  }
0x6b: {  	_ =	shalt  }
0x6c: {  	_ =	shalt  }
0x6d: {  	_ =	shalt  }
0x6e: {  	_ =	shalt  }
0x6f: {  	_ =	shalt  }
0x70: {  	_ =	shalt  }
0x71: {  	_ =	shalt  }
0x72: {  	_ =	shalt  }
0x73: {  	_ =	shalt  }
0x74: {  	_ =	shalt  }
0x75: {  	_ =	shalt  }
0x76: {  	_ =	shalt  }
0x77: {  	_ =	shalt  }
0x78: {  	_ =	shalt  }
0x79: {  	_ =	shalt  }
0x7a: {  	_ =	shalt  }
0x7b: {  	_ =	shalt  }
0x7c: {  	_ =	shalt  }
0x7d: {  	_ =	shalt  }
0x7e: {  	_ =	shalt  }
0x7f: {  	_ =	shalt  }
0x80: {  	_ =	shalt  }
0x81: {  	_ =	shalt  }
0x82: {  	_ =	shalt  }
0x83: {  	_ =	shalt  }
0x84: {  	_ =	shalt  }
0x85: {  	_ =	shalt  }
0x86: {  	_ =	shalt  }
0x87: {  	_ =	shalt  }
.Lfunc_end0:
.L_simem_size_0:
called_computation_lowered:
.L_overlay_start_0:
0x88: {  	s2 =	sld [smem:$0x3FD9]  }
0x89: {  	s3 =	sld [smem:$0x3FFE];
	_ =	sdelay $0x1  }
0x8a: {  	s1 =	srdreg.scid  }
0x8b: {  	s0 =	sand.u32 $0x1, s1  }
0x8c: {  	s14 =	sshll.u32 s0, $0xA;
	s2 =	sadd.s32 s3, s2  }
0x8d: {  	s2 =	sadd.s32 s2, s14  }
0x8e: {  	[smem:$0x3FBC] =	sst s2  }
0x8f: {  	_ = 	snop  }
0x90: {  	s2 =	sld [smem:$0x3FD0];
	_ =	sdelay $0x2  }
0x91: {  	s15 =	simm.s32 $0xA;
	s4 =	simm.s32 $0x10  }
0x92: {  	[smem:s4], [sflag:s15] =	dma.local [hbm:s2], $0x1  }
0x93: {  	_ =	swait.eq [sflag:s15], $0x1  }
0x94: {  	[sflag:s15] =	ssyncset.done $0x0  }
0x95: {  	[sflag:s15] =	ssyncadd.s32 $0xFFFFFFFF  }
0x96: {  	s16 =	sld [smem:$0x10];
	(tm) =	ssettm $0x1  }
0x97: {  	s17 =	sld [smem:$0x3FFB];
	_ =	sdelay $0x3  }
0x98: {  	_ =	strace s17  }
0x99: {  	s3 =	sld [smem:$0x3FFC];
	_ =	sdelay $0x3  }
0x9a: {  	_ =	strace s3  }
0x9b: {  	s3 =	sld [smem:$0x3FFD];
	_ =	sdelay $0x3  }
0x9c: {  	_ =	strace s3  }
0x9d: {  	_ =	strace $0x8FFFFFFF  }
0x9e: {  	s18 =	sld [smem:$0x3FDB];
	_ =	sdelay $0x1  }
0x9f: {  	s19 =	simm.s32 $_scs_section_size  }
0xa0: {  	s5 =	simm.s32 $_size__tile_overlayer_lowered;
	s6 =	simm.s32 $_tile_overlayer_lowered  }
0xa1: {  	s22 =	simm.s32 $0x1BFF;
	s21 =	sshll.u32 s6, $0x1;
	s3 =	sadd.s32 s19, s18  }
0xa2: {  	s7 =	simm.s32 $0x0;
	s20 =	sshll.u32 s5, $0x1;
	s5 =	sadd.s32 s21, s3  }
0xa3: {  	[timem:s7], [sflag:s22] =	dma.local [hbm:s5], s20  }
0xa4: {  	_ =	swait.ge [sflag:s22], s20  }
0xa5: {  	s4 =	ssub.s32 $0x0, s20;
	[sflag:s22] =	ssyncset.done $0x0  }
0xa6: {  	[sflag:s22] =	ssyncadd.s32 s4;
	_ =	sdelay $0x1  }
0xa7: {  	s23 =	simm.s32 $0x1B8B  }
0xa8: {  	_ =	swait.ge [sflag:s23], $0x1  }
0xa9: {  	[sflag:s23] =	ssyncset.done $0x0  }
0xaa: {  	s25 =	simm.s32 $0x1B8E;
	s24 =	sld [smem:$0x3FFE];
	[sflag:s23] =	ssyncadd.s32 $0xFFFFFFFF  }
0xab: {  	s26 =	simm.s32 $execute0_lowered;
	[smem:$0x3FD2] =	sst s25  }
0xac: {  	s5 =	sshll.u32 s26, $0x1;
	_ =	strace $0x80000046;
	[dreg:$0x1] =	wrdreg $0xFFFFFFFF  }
0xad: {  	s28 =	simm.s32 $_size_execute0_lowered;
	s3 =	sadd.s32 s3, s5;
	[dreg:$0x0] =	wrdreg $0x0  }
0xae: {  	s5 =	sshll.u32 s28, $0x1;
	[dreg:$0x2] =	wrdreg s3  }
0xaf: {  	[dreg:$0x3] =	wrdreg s5  }
0xb0: {  	[dreg:$0x4] =	wrdreg $0xC0  }
0xb1: {  	_ =	task [dreg:s7], $0x5FFFF  }
0xb2: {  	[dreg:$0x1] =	wrdreg $0xFFFFFFFF  }
0xb3: {  	[dreg:$0x0] =	wrdreg $0x60  }
0xb4: {  	[dreg:$0x2] =	wrdreg s24  }
0xb5: {  	[dreg:$0x3] =	wrdreg s16  }
0xb6: {  	[dreg:$0x4] =	wrdreg $0x9  }
0xb7: {  	_ =	task.clear_ibuf [dreg:s7], $0x5FFFF;
	_ =	strace $0x90000046  }
0xb8: {  	s29 =	simm.s32 $0x9;
	_ =	strace $0x80000048  }
0xb9: {  	_ =	swait.ge [sflag:s29], $0x1  }
0xba: {  	[sflag:s29] =	ssyncadd.s32 $0xFFFFFFFF  }
0xbb: {  	_ =	strace $0x90000048  }
0xbc: {  	_ =	sfence  }
0xbd: {  	s30 =	sld [smem:$0x0];
	_ =	sdelay $0x2  }
0xbe: {  	s31 =	sshll.u32 s1, $0xD;
	s1 =	sshrl.u32 s1, $0x2  }
0xbf: {  	s3 =	sand.u32 $0x4000, s31;
	s1 =	sadd.s32 s1, s30  }
0xc0: {  	s0 =	sor.u32 s3, s0;
	s1 =	sshll.u32 s1, $0x11  }
0xc1: {  	s0 =	sor.u32 s1, s0  }
0xc2: {  	s0 =	sadd.s32 $0x8F2B, s0  }
0xc3: {  	[sflag:s0] =	ssyncadd.remote.s32 $0x1  }
0xc4: {  	_ =	sfence.sel $0xFFFF  }
0xc5: {  	[dreg:$0x0] =	wrdreg $0xFFFFFFFF;
	(pc) =	sbr.abs _section_cstart, $3  }
0xc6: {  	[dreg:$0x1] =	wrdreg $0xFFFFFFFF  }
0xc7: {  	_ =	task.clear_ibuf [dreg:s7], $0x2FFFF;
	_ =	strace $0x9FFFFFFF  }
0xc8: {  	(tm) =	ssettm $0x7FFFFFFF  }
0xc9: {  	_ =	shalt  }
tec
execute0_lowered:
.L_overlay_start_1:
0x0: {  	(tag) =	ssettag $0x1  }
0x1: {  	s3 =	rddreg [dreg:$0x0]  }
0x2: {  	s1 =	srdreg.scid;
	s0 =	stileid.u32  }
0x3: {  	s5 =	rddreg [dreg:$0x1];
	s2 =	simm.s32 $0x0;
	s9 =	simm.s32 $0x980  }
0x4: {  	s10 =	simm.s32 $0x1180;
	s11 =	simm.s32 $0x1980;
	s12 =	simm.s32 $0x2180  }
0x5: {  	s13 =	simm.s32 $0x2980;
	s14 =	simm.s32 $0x3180;
	s15 =	simm.s32 $0x3980  }
0x6: {  	s16 =	simm.s32 $0x4180;
	s4 =	sand.u32 $0x1, s1;
	s6 =	sshll.u32 s0, $0x1  }
0x7: {  	s17 =	simm.s32 $0x4980;
	s18 =	simm.s32 $0x1;
	s6 =	sor.u32 s4, s6  }
0x8: {  	s1 =	rddreg [dreg:$0x2];
	s4 =	ssub.s32 $0x2, s4;
	s7 =	smul.u32 $0x18, s6  }
0x9: {  	[smem:$0x7FF] =	sst s2;
	s8 =	sshrl.u32 s4, $0x1;
	s6 =	smul.u32 $0xA00, s6  }
0xa: {  	v3 =	vlaneseq.u32;
	_ =	strace $0x80000047;
	s8 =	ssub.s32 s4, s8;
	s7 =	sadd.s32 s7, s3  }
0xb: {  	v0 =	vimm.s32 $0x800;
	vm0 =	vmmov $0xffff;
	v2 =	vshrl.u32 v3, $0x3;
	s3 =	sadd.s32 $0x1E00, s3;
	s5 =	sadd.s32 s5, s6;
	s6 =	smax.u32 s8, $0x1  }
0xc: {  	v1 =	vand.u32 $0x7, v3;
	v3 =	vor.u32 $0x8, v3;
	v2 =	vmul.u32 $0x8, v2;
	s8 =	simm.s32 $0x180;
	s4 =	sadd.s32 $0x1A00, s7;
	s7 =	simm.s32 $0x2  }
.LBB2_1:
0xd: {  	[tilespmem:s2], [sflag:$0x2] =	stream.linear.gather [hbm4b:s4+s2], $0xC0, $0x38;
	[tilespmem:$0x5180] =	vst v63  }
0xe: {  	_ =	swait.ge [sflag:s7], $0xC0  }
0xf: {  	[sflag:s7] =	ssyncset.done $0x0  }
0x10: {  	[sflag:s7] =	ssyncadd.s32 $0xFFFFFF40  }
0x11: {  	v4 =	vld [tilespmem:$0x40]  }
0x12: {  	v5 =	vld [tilespmem:$0x0]  }
0x13: {  	v6 =	vld [tilespmem:$0x80]  }
0x14: {  	v7 =	vld [tilespmem:$0x50]  }
0x15: {  	v8 =	vld [tilespmem:$0x10]  }
0x16: {  	v9 =	vld [tilespmem:$0x90]  }
0x17: {  	v10 =	vld [tilespmem:$0x60]  }
0x18: {  	v11 =	vld [tilespmem:$0x20]  }
0x19: {  	v12 =	vld [tilespmem:$0x30]  }
0x1a: {  	v54 =	vld [tilespmem:$0xB0];
	v4 =	vmul.f32 $6.250000000e-02, v4  }
0x1b: {  	v49 =	vld [tilespmem:$0xA0];
	v5 =	vmul.f32 $6.250000000e-02, v5;
	v6 =	vtrunc.f32 v6  }
0x1c: {  	v7 =	vmul.f32 $6.250000000e-02, v7;
	v8 =	vmul.f32 $6.250000000e-02, v8  }
0x1d: {  	v9 =	vtrunc.f32 v9;
	v10 =	vmul.f32 $6.250000000e-02, v10  }
0x1e: {  	v11 =	vmul.f32 $6.250000000e-02, v11;
	v12 =	vmul.f32 $6.250000000e-02, v12  }
0x1f: {  	v51 =	vld [tilespmem:$0x70];
	v58 =	vtrunc.f32 v54;
	v6 =	vcvt.f32.s32 v6  }
0x20: {  	v48 =	vcvt.f32.s32 v9;
	v9 =	vtrunc.f32 v49  }
0x21: {  	v4 =	vtrunc.f32 v4;
	v5 =	vtrunc.f32 v5  }
0x22: {  	v7 =	vtrunc.f32 v7;
	v8 =	vtrunc.f32 v8  }
0x23: {  	v10 =	vtrunc.f32 v10;
	v50 =	vtrunc.f32 v11  }
0x24: {  	v52 =	vcvt.f32.s32 v9;
	v11 =	vmul.f32 $6.250000000e-02, v51  }
0x25: {  	v55 =	vtrunc.f32 v12;
	v4 =	vcvt.f32.s32 v4  }
0x26: {  	v5 =	vcvt.f32.s32 v5;
	v7 =	vcvt.f32.s32 v7  }
0x27: {  	v6 =	vshll.u32 v6, $0xA;
	v8 =	vcvt.f32.s32 v8;
	v10 =	vcvt.f32.s32 v10  }
0x28: {  	v57 =	vcvt.f32.s32 v55;
	v11 =	vtrunc.f32 v11;
	vm1 =	vgt.s32 v4, $0x0  }
0x29: {  	v11 =	vcvt.f32.s32 v11;
	v4 =	vnsel vm1, $0x0, v4;
	vm1 =	vgt.s32 v5, $0x0  }
0x2a: {  	v5 =	vnsel vm1, $0x0, v5;
	v4 =	vmin.u32 v4, $0x1F;
	vm1 =	vgt.s32 v7, $0x0  }
0x2b: {  	v4 =	vshll.u32 v4, $0x5;
	v7 =	vnsel vm1, $0x0, v7;
	vm1 =	vgt.s32 v8, $0x0  }
0x2c: {  	v5 =	vmin.u32 v5, $0x1F;
	v4 =	vor.u32 v6, v4;
	v8 =	vnsel vm1, $0x0, v8  }
0x2d: {  	v7 =	vmin.u32 v7, $0x1F;
	v6 =	vshll.u32 v48, $0xA;
	vm1 =	vgt.s32 v10, $0x0  }
0x2e: {  	v7 =	vshll.u32 v7, $0x5;
	v8 =	vmin.u32 v8, $0x1F;
	v53 =	vnsel vm1, $0x0, v10  }
0x2f: {  	v4 =	vor.u32 v5, v4;
	v5 =	vand.u32 $0x7, v5;
	v6 =	vor.u32 v6, v7  }
0x30: {  	v7 =	vcvt.f32.s32 v50;
	v9 =	vmin.u32 v53, $0x1F;
	v56 =	vshll.u32 v4, $0x1  }
0x31: {  	[tilespmem:$0x100] =	vst v4;
	v4 =	vcvt.f32.s32 v58;
	v6 =	vor.u32 v8, v6;
	v8 =	vshll.u32 v52, $0xA  }
0x32: {  	v9 =	vshll.u32 v9, $0x5;
	v12 =	vand.u32 $0xFFFFFFF0, v56;
	vm1 =	vgt.s32 v7, $0x0  }
0x33: {  	v8 =	vor.u32 v8, v9;
	v5 =	vor.u32 v5, v12;
	v4 =	vshll.u32 v4, $0xA  }
0x34: {  	v7 =	vnsel vm1, $0x0, v7;
	vm1 =	vgt.s32 v11, $0x0;
	v59 =	vperm.xlane v5, v1  }
0x35: {  	v5 =	vperm.xlane v5, v3;
	v7 =	vmin.u32 v7, $0x1F;
	v60 =	vnsel vm1, $0x0, v11  }
0x36: {  	[tilespmem:$0x120] =	vst v0;
	vm1 =	vgt.s32 v57, $0x0;
	v61 =	vmin.u32 v60, $0x1F;
	v62 =	vadd.s32 v2, v59  }
0x37: {  	[tilespmem:$0x110] =	vst v6;
	v7 =	vor.u32 v7, v8;
	v8 =	vnsel vm1, $0x0, v57;
	v6 =	vshll.u32 v61, $0x5  }
0x38: {  	[tilespmem:$0x140] =	vst v0;
	v5 =	vadd.s32 v2, v5;
	v63 =	vmin.u32 v8, $0x1F;
	v4 =	vor.u32 v4, v6  }
0x39: {  	[tilespmem:$0x128] =	vst v7;
	v4 =	vor.u32 v63, v4  }
0x3a: {  	[tilespmem:$0x138] =	vst v4  }
0x3b: {  	[tilespmem:s8], [sflag:$0x1] =	stream.indirect_vreg.gather [hbm4b:s3+s2], $0x80, v62, vm0, $0xb8;
	[tilespmem:$0x5180] =	vst v63  }
0x3c: {  	_ = 	snop  }
0x3d: {  	[tilespmem:s9], [sflag:$0x1] =	stream.indirect_vreg.gather [hbm4b:s3+s2], $0x80, v5, vm0, $0xb8;
	[tilespmem:$0x5180] =	vst v63  }
0x3e: {  	v4 =	vld [tilespmem:$0x110];
	_ =	sdelay $0x4  }
0x3f: {  	v5 =	vshll.u32 v4, $0x1  }
0x40: {  	v4 =	vand.u32 $0x7, v4;
	v5 =	vand.u32 $0xFFFFFFF0, v5  }
0x41: {  	v4 =	vor.u32 v4, v5  }
0x42: {  	v5 =	vperm.xlane v4, v1;
	_ =	sdelay $0x1  }
0x43: {  	v4 =	vperm.xlane v4, v3;
	v5 =	vadd.s32 v2, v5;
	_ =	sdelay $0x1  }
0x44: {  	v4 =	vadd.s32 v2, v4;
	_ =	sdelay $0x2  }
0x45: {  	[tilespmem:s10], [sflag:$0x1] =	stream.indirect_vreg.gather [hbm4b:s3+s2], $0x80, v5, vm0, $0xb8;
	[tilespmem:$0x5180] =	vst v63  }
0x46: {  	_ = 	snop  }
0x47: {  	[tilespmem:s11], [sflag:$0x1] =	stream.indirect_vreg.gather [hbm4b:s3+s2], $0x80, v4, vm0, $0xb8;
	[tilespmem:$0x5180] =	vst v63  }
0x48: {  	v4 =	vld [tilespmem:$0x120];
	_ =	sdelay $0x4  }
0x49: {  	v5 =	vshll.u32 v4, $0x1  }
0x4a: {  	v4 =	vand.u32 $0x7, v4;
	v5 =	vand.u32 $0xFFFFFFF0, v5  }
0x4b: {  	v4 =	vor.u32 v4, v5  }
0x4c: {  	v5 =	vperm.xlane v4, v1;
	_ =	sdelay $0x1  }
0x4d: {  	v4 =	vperm.xlane v4, v3;
	v5 =	vadd.s32 v2, v5;
	_ =	sdelay $0x1  }
0x4e: {  	v4 =	vadd.s32 v2, v4;
	_ =	sdelay $0x2  }
0x4f: {  	[tilespmem:s12], [sflag:$0x1] =	stream.indirect_vreg.gather [hbm4b:s3+s2], $0x80, v5, vm0, $0xb8;
	[tilespmem:$0x5180] =	vst v63  }
0x50: {  	_ = 	snop  }
0x51: {  	[tilespmem:s13], [sflag:$0x1] =	stream.indirect_vreg.gather [hbm4b:s3+s2], $0x80, v4, vm0, $0xb8;
	[tilespmem:$0x5180] =	vst v63  }
0x52: {  	v4 =	vld [tilespmem:$0x130];
	_ =	sdelay $0x4  }
0x53: {  	v5 =	vshll.u32 v4, $0x1  }
0x54: {  	v4 =	vand.u32 $0x7, v4;
	v5 =	vand.u32 $0xFFFFFFF0, v5  }
0x55: {  	v4 =	vor.u32 v4, v5  }
0x56: {  	v5 =	vperm.xlane v4, v1;
	_ =	sdelay $0x1  }
0x57: {  	v4 =	vperm.xlane v4, v3;
	v5 =	vadd.s32 v2, v5;
	_ =	sdelay $0x1  }
0x58: {  	v4 =	vadd.s32 v2, v4;
	_ =	sdelay $0x2  }
0x59: {  	[tilespmem:s14], [sflag:$0x1] =	stream.indirect_vreg.gather [hbm4b:s3+s2], $0x80, v5, vm0, $0xb8;
	[tilespmem:$0x5180] =	vst v63  }
0x5a: {  	_ = 	snop  }
0x5b: {  	[tilespmem:s15], [sflag:$0x1] =	stream.indirect_vreg.gather [hbm4b:s3+s2], $0x80, v4, vm0, $0xb8;
	[tilespmem:$0x5180] =	vst v63  }
0x5c: {  	v4 =	vld [tilespmem:$0x140];
	_ =	sdelay $0x4  }
0x5d: {  	v5 =	vshll.u32 v4, $0x1  }
0x5e: {  	v4 =	vand.u32 $0x7, v4;
	v5 =	vand.u32 $0xFFFFFFF0, v5  }
0x5f: {  	v4 =	vor.u32 v4, v5  }
0x60: {  	v5 =	vperm.xlane v4, v1;
	_ =	sdelay $0x1  }
0x61: {  	v4 =	vperm.xlane v4, v3;
	v5 =	vadd.s32 v2, v5;
	_ =	sdelay $0x1  }
0x62: {  	v4 =	vadd.s32 v2, v4;
	_ =	sdelay $0x2  }
0x63: {  	[tilespmem:s16], [sflag:$0x1] =	stream.indirect_vreg.gather [hbm4b:s3+s2], $0x80, v5, vm0, $0xb8;
	[tilespmem:$0x5180] =	vst v63  }
0x64: {  	_ = 	snop  }
0x65: {  	[tilespmem:s17], [sflag:$0x1] =	stream.indirect_vreg.gather [hbm4b:s3+s2], $0x80, v4, vm0, $0xb8;
	[tilespmem:$0x5180] =	vst v63  }
0x66: {  	_ =	swait.ge [sflag:s18], $0x1000  }
0x67: {  	[sflag:s18] =	ssyncset.done $0x0  }
0x68: {  	[sflag:s18] =	ssyncadd.s32 $0xFFFFF000  }
0x69: {  	_ =	swait.ge [sflag:s18], $0x1000  }
0x6a: {  	[sflag:s18] =	ssyncset.done $0x0  }
0x6b: {  	[sflag:s18] =	ssyncadd.s32 $0xFFFFF000  }
0x6c: {  	_ =	swait.ge [sflag:s18], $0x1000  }
0x6d: {  	[sflag:s18] =	ssyncset.done $0x0  }
0x6e: {  	[sflag:s18] =	ssyncadd.s32 $0xFFFFF000  }
0x6f: {  	_ =	swait.ge [sflag:s18], $0x1000  }
0x70: {  	[sflag:s18] =	ssyncset.done $0x0  }
0x71: {  	[sflag:s18] =	ssyncadd.s32 $0xFFFFF000  }
0x72: {  	_ =	swait.ge [sflag:s18], $0x1000  }
0x73: {  	p0 =	sne.s32 s6, $0x1;
	[sflag:s18] =	ssyncset.done $0x0  }
.Ltmp0:
0x74: {  	[sflag:s18] =	ssyncadd.s32 $0xFFFFF000;
	(pc) =	sbr.rel @p0 .LBB2_1-.Ltmp0, $4  }
0x75: {  	[hbm4b:s5+s2] =	stream.linear.scatter [tilespmem:s8], [sflag:$0x2], $0x5000, $0x38;
	[tilespmem:$0x5180] =	vst v63  }
0x76: {  	_ =	swait.ge [sflag:s7], $0x5000  }
0x77: {  	[sflag:s7] =	ssyncset.done $0x0  }
0x78: {  	s6 =	sadd.s32 $0xFFFFFFFF, s6;
	[sflag:s7] =	ssyncadd.s32 $0xFFFFB000  }
0x79: {  	_ =	sfence.sel $0x180000  }
0x7a: {  	[bflag:$0x0] =	sbarrier.arrive $0xFFFF  }
0x7b: {  	p0 =	sne.s32 s0, $0x0;
	_ =	strace $0x90000047  }
0x7c: {  	s0 =	sadd.s32 @!p0 $0x100000, s1;
	[bflag:$0x2] =	sbarrier.arrive $0xFFFF  }
0x7d: {  	[sflag:s0] =	ssyncadd.tile.s32 @!p0 $0x1;
	_ =	shalt  }
.Lfunc_end2:
_tile_overlayer_lowered:
.L_overlay_start_2:
0x7e: {  	(tag) =	ssettag $0x2  }
0x7f: {  	s0 =	rddreg [dreg:$0x0];
	s2 =	stileid.u32  }
0x80: {  	s1 =	rddreg [dreg:$0x1];
	p0 =	sne.s32 s2, $0x0  }
0x81: {  	s3 =	rddreg [dreg:$0x2];
	[bflag:$0x3] =	sbarrier.arrive $0xFFFF;
	s2 =	simm.s32 @!p0 $0x1C02  }
0x82: {  	[timem:s3], [sflag:s2] =	dma.local @!p0 [hbm:s0], s1  }
0x83: {  	s0 =	simm.s32 @!p0 $0x2  }
0x84: {  	_ =	swait.ge @!p0 [sflag:s0], s1  }
0x85: {  	s1 =	ssub.s32 @!p0 $0x0, s1;
	[sflag:s0] =	ssyncset.done @!p0 $0x0  }
0x86: {  	[sflag:s0] =	ssyncadd.s32 @!p0 s1  }
0x87: {  	[bflag:$0x3] =	sbarrier.arrive $0xFFFF  }
0x88: {  	_ =	shalt  }

</sc_bundles>
